<compile_context>
chip_gen: v7x
topology: tpu7x:2x2x1
jax: 0.10.2.dev20260603
libtpu: 0.0.44.dev20260713+nightly
codegen_flags: <defaults>
</compile_context>

<pallas_src>
import functools

import jax
import jax.numpy as jnp
from jax import lax
from jax.experimental import pallas as pl
from jax.experimental.pallas import tpu as pltpu
from jax.experimental.pallas import tpu_sc as plsc

N = 10000
F = 128
E = 320000
NC = 2
NS = 16
NW = NC * NS
EPT = E // NW
CW = 80
NCK_DEG = EPT // CW
GRP = 8
NGRP = 16
NCK_PAD = (NGRP + 2) * GRP
EPT_P = NCK_PAD * CW
NP = 10240
RPT = NP // NS
TRASH = NP - 8
DEGW = 128
DEGWIN = 8

_mesh = plsc.VectorSubcoreMesh(core_axis_name="c", subcore_axis_name="s")


@functools.partial(
    pl.kernel,
    out_type=jax.ShapeDtypeStruct((NC, NP, DEGW), jnp.float32),
    mesh=_mesh,
    scratch_types=[
        pltpu.VMEM((GRP, CW), jnp.int32),
        pltpu.VMEM((CW, DEGW), jnp.float32),
        pltpu.VMEM_SHARED((NP, DEGW), jnp.float32),
        pltpu.SemaphoreType.DMA,
    ],
)
def _deg_kernel(dst_hbm, ones_hbm, zdeg_hbm, out_hbm, dix, ones_v, deg_sh, sem):
    cid = lax.axis_index("c")
    sid = lax.axis_index("s")
    wid = sid * NC + cid
    pltpu.sync_copy(ones_hbm, ones_v)
    pltpu.sync_copy(zdeg_hbm, deg_sh.at[pl.ds(sid * RPT, RPT)])
    plsc.subcore_barrier()

    def _grp(gi, _):
        st = pl.multiple_of(gi * GRP, GRP)
        pltpu.sync_copy(dst_hbm.at[wid, pl.ds(st, GRP)], dix)
        for k in range(GRP):
            pltpu.sync_copy(ones_v, deg_sh.at[dix.at[k]], add=True)
        return 0

    lax.fori_loop(0, NGRP, _grp, 0)
    plsc.subcore_barrier()
    pltpu.sync_copy(deg_sh.at[pl.ds(sid * RPT, RPT)],
                    out_hbm.at[cid, pl.ds(sid * RPT, RPT)])


@functools.partial(
    pl.kernel,
    out_type=jax.ShapeDtypeStruct((NC, NP, F), jnp.float32),
    mesh=_mesh,
    scratch_types=[
        pltpu.VMEM((GRP, CW), jnp.int32),
        pltpu.VMEM((GRP, CW), jnp.int32),
        pltpu.VMEM((GRP, CW), jnp.int32),
        pltpu.VMEM((GRP, CW), jnp.int32),
        pltpu.VMEM((CW, F), jnp.float32),
        pltpu.VMEM((CW, F), jnp.float32),
        pltpu.VMEM_SHARED((NP, F), jnp.float32),
        pltpu.SemaphoreType.DMA,
        pltpu.SemaphoreType.DMA,
        pltpu.SemaphoreType.DMA,
        pltpu.SemaphoreType.DMA,
        pltpu.SemaphoreType.DMA,
        pltpu.SemaphoreType.DMA,
    ],
)
def _scatter_kernel(g_hbm, src_hbm, dst_hbm, zrows_hbm, out_hbm,
                    sixA, dixA, sixB, dixB, rows0, rows1, acc_sh,
                    semIA, semIB, semG0, semG1, semS0, semS1):
    cid = lax.axis_index("c")
    sid = lax.axis_index("s")
    wid = sid * NC + cid
    rows = (rows0, rows1)
    semG = (semG0, semG1)

    pltpu.sync_copy(zrows_hbm, acc_sh.at[pl.ds(sid * RPT, RPT)])
    plsc.subcore_barrier()

    def _group(g, six, dix):
        st = pl.multiple_of(g * GRP, GRP)
        pltpu.sync_copy(src_hbm.at[wid, pl.ds(st, GRP)], six)
        pltpu.sync_copy(dst_hbm.at[wid, pl.ds(st, GRP)], dix)
        cps = [pltpu.async_copy(g_hbm.at[six.at[0]], rows0, semG0)]
        for k in range(GRP):
            if k + 1 < GRP:
                cps.append(pltpu.async_copy(
                    g_hbm.at[six.at[k + 1]], rows[(k + 1) % 2],
                    semG[(k + 1) % 2]))
            cps[k].wait()
            pltpu.sync_copy(rows[k % 2], acc_sh.at[dix.at[k]], add=True)

    def _pair(i, _):
        gA = 2 * i
        _group(gA, sixA, dixA)
        _group(gA + 1, sixB, dixB)
        return 0

    lax.fori_loop(0, NGRP // 2, _pair, 0)
    plsc.subcore_barrier()
    pltpu.sync_copy(acc_sh.at[pl.ds(sid * RPT, RPT)],
                    out_hbm.at[cid, pl.ds(sid * RPT, RPT)])


def _mid_body(x_ref, wi_ref, bi_ref, wg_ref, d0_ref, d1_ref, g_ref, dinv_ref):
    h = jnp.maximum(
        jnp.dot(x_ref[...], wi_ref[...], preferred_element_type=jnp.float32)
        + bi_ref[...], 0.0)
    hw = jnp.dot(h, wg_ref[...], preferred_element_type=jnp.float32)
    deg = d0_ref[...] + d1_ref[...] + 1.0
    dinv = lax.rsqrt(deg)
    g_ref[...] = hw * dinv
    dinv_ref[...] = dinv


def _out_body(a_ref, g_ref, dinv_ref, bg_ref, wo_ref, bo_ref, o_ref):
    pre = (a_ref[0] + a_ref[1] + g_ref[...]) * dinv_ref[...] + bg_ref[...]
    o_ref[...] = jnp.dot(jnp.maximum(pre, 0.0), wo_ref[...],
                         preferred_element_type=jnp.float32) + bo_ref[...]


N_BLK = 1000


def kernel(x, edge_index, W_in, b_in, W_gcn, b_gcn, W_out, b_out):
    nclass = W_out.shape[0]
    src2d = edge_index[0].astype(jnp.int32).reshape(NW, EPT)
    dst2d = edge_index[1].astype(jnp.int32).reshape(NW, EPT)
    npad = EPT_P - EPT
    src_p = jnp.concatenate(
        [src2d, jnp.zeros((NW, npad), jnp.int32)], axis=1
    ).reshape(NW, NCK_PAD, CW)
    dst_p = jnp.concatenate(
        [dst2d, jnp.full((NW, npad), TRASH, jnp.int32)], axis=1
    ).reshape(NW, NCK_PAD, CW)

    ones_hbm = jnp.ones((CW, DEGW), jnp.float32)
    zdeg_hbm = jnp.zeros((RPT, DEGW), jnp.float32)
    zrows_hbm = jnp.zeros((RPT, F), jnp.float32)

    degp = _deg_kernel(dst_p, ones_hbm, zdeg_hbm)
    d0 = degp[0, :N, 0:1]
    d1 = degp[1, :N, 0:1]

    g, dinv = pl.pallas_call(
        _mid_body,
        grid=(N // N_BLK,),
        in_specs=[
            pl.BlockSpec((N_BLK, F), lambda i: (i, 0)),
            pl.BlockSpec((F, F), lambda i: (0, 0)),
            pl.BlockSpec((1, F), lambda i: (0, 0)),
            pl.BlockSpec((F, F), lambda i: (0, 0)),
            pl.BlockSpec((N_BLK, 1), lambda i: (i, 0)),
            pl.BlockSpec((N_BLK, 1), lambda i: (i, 0)),
        ],
        out_specs=[
            pl.BlockSpec((N_BLK, F), lambda i: (i, 0)),
            pl.BlockSpec((N_BLK, 1), lambda i: (i, 0)),
        ],
        out_shape=[
            jax.ShapeDtypeStruct((N, F), jnp.float32),
            jax.ShapeDtypeStruct((N, 1), jnp.float32),
        ],
    )(x, W_in.T, b_in.reshape(1, F), W_gcn.T, d0, d1)

    acc = _scatter_kernel(g, src_p, dst_p, zrows_hbm)[:, :N, :]

    y = pl.pallas_call(
        _out_body,
        grid=(N // N_BLK,),
        in_specs=[
            pl.BlockSpec((NC, N_BLK, F), lambda i: (0, i, 0)),
            pl.BlockSpec((N_BLK, F), lambda i: (i, 0)),
            pl.BlockSpec((N_BLK, 1), lambda i: (i, 0)),
            pl.BlockSpec((1, F), lambda i: (0, 0)),
            pl.BlockSpec((F, nclass), lambda i: (0, 0)),
            pl.BlockSpec((1, nclass), lambda i: (0, 0)),
        ],
        out_specs=pl.BlockSpec((N_BLK, nclass), lambda i: (i, 0)),
        out_shape=jax.ShapeDtypeStruct((N, nclass), jnp.float32),
    )(acc, g, dinv, b_gcn.reshape(1, F), W_out.T, b_out.reshape(1, nclass))
    return y

# --- scband reference (transcript-rebuilt; emitter-appended) ---
"""Pipeline reference for scband-pyg-gcn-15118284881960 (READ-ONLY COPY).

The authoritative reference and input builder live on the scoring server;
editing this copy changes nothing except your own understanding.
"""

import jax, jax.numpy as jnp
import numpy as np

N_NODES = 10000
IN_CH = 128
OUT_CH = 128
NUM_CLASS = 40
N_EDGES = 320000


def setup_inputs(seed: int = 0) -> dict:
    key = jax.random.key(seed)
    ks = jax.random.split(key, 8)
    x = jax.random.normal(ks[0], (N_NODES, IN_CH), dtype=jnp.float32)
    edge_index = jax.random.randint(ks[1], (2, N_EDGES), 0, N_NODES, dtype=jnp.int64)
    s_in = 1.0 / np.sqrt(IN_CH)
    s_h = 1.0 / np.sqrt(OUT_CH)
    W_in = jax.random.uniform(ks[2], (OUT_CH, IN_CH), minval=-s_in, maxval=s_in, dtype=jnp.float32)
    b_in = jax.random.uniform(ks[3], (OUT_CH,), minval=-s_in, maxval=s_in, dtype=jnp.float32)
    W_gcn = jax.random.uniform(ks[4], (OUT_CH, OUT_CH), minval=-s_h, maxval=s_h, dtype=jnp.float32)
    b_gcn = jax.random.uniform(ks[5], (OUT_CH,), minval=-s_h, maxval=s_h, dtype=jnp.float32)
    W_out = jax.random.uniform(ks[6], (NUM_CLASS, OUT_CH), minval=-s_h, maxval=s_h, dtype=jnp.float32)
    b_out = jax.random.uniform(ks[7], (NUM_CLASS,), minval=-s_h, maxval=s_h, dtype=jnp.float32)
    return {"x": x, "edge_index": edge_index, "W_in": W_in, "b_in": b_in,
            "W_gcn": W_gcn, "b_gcn": b_gcn, "W_out": W_out, "b_out": b_out}


def _gcn_conv(h, edge_index, W, b):
    # PyG GCNConv: normalize=True, add_self_loops=True, bias=True
    N = h.shape[0]
    loop = jnp.arange(N, dtype=edge_index.dtype)
    src = jnp.concatenate([edge_index[0], loop])
    dst = jnp.concatenate([edge_index[1], loop])
    ew = jnp.ones(src.shape[0], dtype=h.dtype)
    deg = jnp.zeros(N, dtype=h.dtype).at[dst].add(ew)
    deg_inv_sqrt = jnp.where(deg > 0, 1.0 / jnp.sqrt(deg), 0.0)
    norm = deg_inv_sqrt[src] * ew * deg_inv_sqrt[dst]
    hw = h @ W.T
    msg = jnp.take(hw, src, axis=0) * norm[:, None]
    out = jnp.zeros_like(hw).at[dst].add(msg)
    return out + b


def reference(x, edge_index, W_in, b_in, W_gcn, b_gcn, W_out, b_out):
    # linear_transform_in: Linear + ReLU
    h = jax.nn.relu(x @ W_in.T + b_in)
    # GCNConv
    h = _gcn_conv(h, edge_index, W_gcn, b_gcn)
    # linear_cls_out: ReLU + Linear
    y_hat = jax.nn.relu(h) @ W_out.T + b_out
    return y_hat

if __name__ == "__main__":
    import jax
    _d = setup_inputs()
    print(jax.jit(kernel)(*tuple(_d.values())))

</pallas_src>

<mosaic_0001>
#map = affine_map<(d0, d1) -> (0, 0, 0)>
#map1 = affine_map<(d0, d1) -> (0, 0)>
module attributes {stable_mosaic.version = 14 : i64} {
  func.func @_deg_kernel(%arg0: i32, %arg1: i32, %arg2: memref<32x144x80xi32, #tpu.memory_space<hbm>>, %arg3: memref<80x128xf32, #tpu.memory_space<hbm>>, %arg4: memref<640x128xf32, #tpu.memory_space<hbm>>, %arg5: memref<2x10240x128xf32, #tpu.memory_space<hbm>>, %arg6: memref<8x80xi32, #tpu.memory_space<vmem>>, %arg7: memref<80x128xf32, #tpu.memory_space<vmem>>, %arg8: memref<10240x128xf32, #tpu.memory_space<vmem_shared>>, %arg9: memref<!tpu.dma_semaphore, #tpu.memory_space<semaphore_mem>>) attributes {dimension_semantics = [#tpu.dimension_semantics<core_parallel>, #tpu.dimension_semantics<subcore_parallel>], iteration_bounds = array<i64: 2, 16>, scalar_prefetch = 0 : i64, scratch_operands = 4 : i64, tpu.core_type = #tpu.core_type<sc_vector_subcore>, window_params = [{transform_indices = #map}, {transform_indices = #map1}, {transform_indices = #map1}, {transform_indices = #map}]} {
    %mul3A = arith.constant 2 : i32
    %mul3A_0 = arith.muli %arg1, %mul3A : i32
    %add3A = arith.addi %mul3A_0, %arg0 : i32
    "tpu.region"() ({
      %run_scoped3A = tpu.sem_alloc : memref<!tpu.dma_semaphore, #tpu.memory_space<semaphore_mem>>
      tpu.enqueue_dma source(%arg3 : memref<80x128xf32, #tpu.memory_space<hbm>>) target(%arg7 : memref<80x128xf32, #tpu.memory_space<vmem>>) target_semaphore(%run_scoped3A : memref<!tpu.dma_semaphore, #tpu.memory_space<semaphore_mem>>)
      tpu.wait_dma2 semaphore(%run_scoped3A : memref<!tpu.dma_semaphore, #tpu.memory_space<semaphore_mem>>) src(%arg3 : memref<80x128xf32, #tpu.memory_space<hbm>>) dst(%arg7 : memref<80x128xf32, #tpu.memory_space<vmem>>)
      tpu.yield
    }) : () -> ()
    %mul3A_1 = arith.constant 640 : i32
    %mul3A_2 = arith.muli %arg1, %mul3A_1 : i32
    "tpu.region"() ({
      %run_scoped3A = tpu.sem_alloc : memref<!tpu.dma_semaphore, #tpu.memory_space<semaphore_mem>>
      %dma_start3A = arith.constant 0 : i32
      %dma_start3A_14 = tpu.memref_slice %arg8[%mul3A_2, %dma_start3A] : memref<10240x128xf32, #tpu.memory_space<vmem_shared>> -> memref<640x128xf32, #tpu.memory_space<vmem_shared>>
      tpu.enqueue_dma source(%arg4 : memref<640x128xf32, #tpu.memory_space<hbm>>) target(%dma_start3A_14 : memref<640x128xf32, #tpu.memory_space<vmem_shared>>) target_semaphore(%run_scoped3A : memref<!tpu.dma_semaphore, #tpu.memory_space<semaphore_mem>>)
      %dma_wait3A = arith.constant 0 : i32
      %dma_wait3A_15 = tpu.memref_slice %arg8[%mul3A_2, %dma_wait3A] : memref<10240x128xf32, #tpu.memory_space<vmem_shared>> -> memref<640x128xf32, #tpu.memory_space<vmem_shared>>
      tpu.wait_dma2 semaphore(%run_scoped3A : memref<!tpu.dma_semaphore, #tpu.memory_space<semaphore_mem>>) src(%arg4 : memref<640x128xf32, #tpu.memory_space<hbm>>) dst(%dma_wait3A_15 : memref<640x128xf32, #tpu.memory_space<vmem_shared>>)
      tpu.yield
    }) : () -> ()
    %barrier3A = arith.constant 0 : index
    tpu.barrier barrier_id(%barrier3A)
    %scan3A = arith.constant 0 : i32
    %scan3A_3 = arith.constant 0 : i32
    %scan3A_4 = arith.constant 16 : i32
    %scan3A_5 = arith.addi %scan3A_3, %scan3A_4 : i32
    %scan3A_6 = arith.constant 1 : i32
    %scan3A_7 = scf.for %scan3A_14 = %scan3A_3 to %scan3A_5 step %scan3A_6 iter_args(%scan3A_15 = %scan3A) -> (i32)  : i32 {
      %mul3A_16 = arith.constant 8 : i32
      %mul3A_17 = arith.muli %scan3A_14, %mul3A_16 : i32
      %multiple_of3A = tpu.assume_multiple %mul3A_17, 8 : i32
      "tpu.region"() ({
        %run_scoped3A_26 = tpu.sem_alloc : memref<!tpu.dma_semaphore, #tpu.memory_space<semaphore_mem>>
        %dma_start3A = arith.constant 0 : i32
        %dma_start3A_27 = tpu.memref_slice %arg2[%add3A, %multiple_of3A, %dma_start3A] : memref<32x144x80xi32, #tpu.memory_space<hbm>> -> memref<1x8x80xi32, #tpu.memory_space<hbm>>
        %dma_start3A_28 = tpu.memref_squeeze %dma_start3A_27 : memref<1x8x80xi32, #tpu.memory_space<hbm>> -> memref<8x80xi32, #tpu.memory_space<hbm>>
        %dma_start3A_29 = arith.constant 0 : i32
        %dma_start3A_30 = tpu.memref_slice %arg2[%add3A, %multiple_of3A, %dma_start3A_29] : memref<32x144x80xi32, #tpu.memory_space<hbm>> -> memref<1x8x80xi32, #tpu.memory_space<hbm>>
        %dma_start3A_31 = tpu.memref_squeeze %dma_start3A_30 : memref<1x8x80xi32, #tpu.memory_space<hbm>> -> memref<8x80xi32, #tpu.memory_space<hbm>>
        tpu.enqueue_dma source(%dma_start3A_31 : memref<8x80xi32, #tpu.memory_space<hbm>>) target(%arg6 : memref<8x80xi32, #tpu.memory_space<vmem>>) target_semaphore(%run_scoped3A_26 : memref<!tpu.dma_semaphore, #tpu.memory_space<semaphore_mem>>)
        %dma_wait3A = arith.constant 0 : i32
        %dma_wait3A_32 = tpu.memref_slice %arg2[%add3A, %multiple_of3A, %dma_wait3A] : memref<32x144x80xi32, #tpu.memory_space<hbm>> -> memref<1x8x80xi32, #tpu.memory_space<hbm>>
        %dma_wait3A_33 = tpu.memref_squeeze %dma_wait3A_32 : memref<1x8x80xi32, #tpu.memory_space<hbm>> -> memref<8x80xi32, #tpu.memory_space<hbm>>
        %dma_wait3A_34 = arith.constant 0 : i32
        %dma_wait3A_35 = tpu.memref_slice %arg2[%add3A, %multiple_of3A, %dma_wait3A_34] : memref<32x144x80xi32, #tpu.memory_space<hbm>> -> memref<1x8x80xi32, #tpu.memory_space<hbm>>
        %dma_wait3A_36 = tpu.memref_squeeze %dma_wait3A_35 : memref<1x8x80xi32, #tpu.memory_space<hbm>> -> memref<8x80xi32, #tpu.memory_space<hbm>>
        tpu.wait_dma2 semaphore(%run_scoped3A_26 : memref<!tpu.dma_semaphore, #tpu.memory_space<semaphore_mem>>) src(%dma_wait3A_36 : memref<8x80xi32, #tpu.memory_space<hbm>>) dst(%arg6 : memref<8x80xi32, #tpu.memory_space<vmem>>)
        tpu.yield
      }) : () -> ()
      %run_scoped3A = arith.constant 0 : i32
      "tpu.region"() ({
        %run_scoped3A_26 = tpu.sem_alloc : memref<!tpu.dma_semaphore, #tpu.memory_space<semaphore_mem>>
        %dma_start3A = arith.constant 0 : i32
        %dma_start3A_27 = tpu.memref_slice %arg6[%run_scoped3A, %dma_start3A] : memref<8x80xi32, #tpu.memory_space<vmem>> -> memref<1x80xi32, #tpu.memory_space<vmem>>
        %dma_start3A_28 = tpu.memref_squeeze %dma_start3A_27 : memref<1x80xi32, #tpu.memory_space<vmem>> -> memref<80xi32, #tpu.memory_space<vmem>>
        %dma_start3A_29 = arith.constant 0 : i32
        %dma_start3A_30 = arith.constant 0 : i32
        %dma_start3A_31 = tpu.memref_slice %arg8[%dma_start3A_29, %dma_start3A_30] : memref<10240x128xf32, #tpu.memory_space<vmem_shared>> -> memref<10240x128xf32, #tpu.memory_space<vmem_shared>>
        tpu.enqueue_indirect_dma source(%arg7 : memref<80x128xf32, #tpu.memory_space<vmem>>) target(%dma_start3A_31 : memref<10240x128xf32, #tpu.memory_space<vmem_shared>>) offsets(%dma_start3A_28 : memref<80xi32, #tpu.memory_space<vmem>>) semaphore(%run_scoped3A_26 : memref<!tpu.dma_semaphore, #tpu.memory_space<semaphore_mem>>) {add = true}
        %dma_wait3A = arith.constant 0 : i32
        %dma_wait3A_32 = tpu.memref_slice %arg6[%run_scoped3A, %dma_wait3A] : memref<8x80xi32, #tpu.memory_space<vmem>> -> memref<1x80xi32, #tpu.memory_space<vmem>>
        %dma_wait3A_33 = tpu.memref_squeeze %dma_wait3A_32 : memref<1x80xi32, #tpu.memory_space<vmem>> -> memref<80xi32, #tpu.memory_space<vmem>>
        %dma_wait3A_34 = arith.constant 0 : i32
        %dma_wait3A_35 = arith.constant 0 : i32
        %dma_wait3A_36 = tpu.memref_slice %arg8[%dma_wait3A_34, %dma_wait3A_35] : memref<10240x128xf32, #tpu.memory_space<vmem_shared>> -> memref<10240x128xf32, #tpu.memory_space<vmem_shared>>
        tpu.wait_indirect_dma semaphore(%run_scoped3A_26 : memref<!tpu.dma_semaphore, #tpu.memory_space<semaphore_mem>>) src(%arg7 : memref<80x128xf32, #tpu.memory_space<vmem>>) dst(%dma_wait3A_36 : memref<10240x128xf32, #tpu.memory_space<vmem_shared>>)
        tpu.yield
      }) : () -> ()
      %run_scoped3A_18 = arith.constant 1 : i32
      "tpu.region"() ({
        %run_scoped3A_26 = tpu.sem_alloc : memref<!tpu.dma_semaphore, #tpu.memory_space<semaphore_mem>>
        %dma_start3A = arith.constant 0 : i32
        %dma_start3A_27 = tpu.memref_slice %arg6[%run_scoped3A_18, %dma_start3A] : memref<8x80xi32, #tpu.memory_space<vmem>> -> memref<1x80xi32, #tpu.memory_space<vmem>>
        %dma_start3A_28 = tpu.memref_squeeze %dma_start3A_27 : memref<1x80xi32, #tpu.memory_space<vmem>> -> memref<80xi32, #tpu.memory_space<vmem>>
        %dma_start3A_29 = arith.constant 0 : i32
        %dma_start3A_30 = arith.constant 0 : i32
        %dma_start3A_31 = tpu.memref_slice %arg8[%dma_start3A_29, %dma_start3A_30] : memref<10240x128xf32, #tpu.memory_space<vmem_shared>> -> memref<10240x128xf32, #tpu.memory_space<vmem_shared>>
        tpu.enqueue_indirect_dma source(%arg7 : memref<80x128xf32, #tpu.memory_space<vmem>>) target(%dma_start3A_31 : memref<10240x128xf32, #tpu.memory_space<vmem_shared>>) offsets(%dma_start3A_28 : memref<80xi32, #tpu.memory_space<vmem>>) semaphore(%run_scoped3A_26 : memref<!tpu.dma_semaphore, #tpu.memory_space<semaphore_mem>>) {add = true}
        %dma_wait3A = arith.constant 0 : i32
        %dma_wait3A_32 = tpu.memref_slice %arg6[%run_scoped3A_18, %dma_wait3A] : memref<8x80xi32, #tpu.memory_space<vmem>> -> memref<1x80xi32, #tpu.memory_space<vmem>>
        %dma_wait3A_33 = tpu.memref_squeeze %dma_wait3A_32 : memref<1x80xi32, #tpu.memory_space<vmem>> -> memref<80xi32, #tpu.memory_space<vmem>>
        %dma_wait3A_34 = arith.constant 0 : i32
        %dma_wait3A_35 = arith.constant 0 : i32
        %dma_wait3A_36 = tpu.memref_slice %arg8[%dma_wait3A_34, %dma_wait3A_35] : memref<10240x128xf32, #tpu.memory_space<vmem_shared>> -> memref<10240x128xf32, #tpu.memory_space<vmem_shared>>
        tpu.wait_indirect_dma semaphore(%run_scoped3A_26 : memref<!tpu.dma_semaphore, #tpu.memory_space<semaphore_mem>>) src(%arg7 : memref<80x128xf32, #tpu.memory_space<vmem>>) dst(%dma_wait3A_36 : memref<10240x128xf32, #tpu.memory_space<vmem_shared>>)
        tpu.yield
      }) : () -> ()
      %run_scoped3A_19 = arith.constant 2 : i32
      "tpu.region"() ({
        %run_scoped3A_26 = tpu.sem_alloc : memref<!tpu.dma_semaphore, #tpu.memory_space<semaphore_mem>>
        %dma_start3A = arith.constant 0 : i32
        %dma_start3A_27 = tpu.memref_slice %arg6[%run_scoped3A_19, %dma_start3A] : memref<8x80xi32, #tpu.memory_space<vmem>> -> memref<1x80xi32, #tpu.memory_space<vmem>>
        %dma_start3A_28 = tpu.memref_squeeze %dma_start3A_27 : memref<1x80xi32, #tpu.memory_space<vmem>> -> memref<80xi32, #tpu.memory_space<vmem>>
        %dma_start3A_29 = arith.constant 0 : i32
        %dma_start3A_30 = arith.constant 0 : i32
        %dma_start3A_31 = tpu.memref_slice %arg8[%dma_start3A_29, %dma_start3A_30] : memref<10240x128xf32, #tpu.memory_space<vmem_shared>> -> memref<10240x128xf32, #tpu.memory_space<vmem_shared>>
        tpu.enqueue_indirect_dma source(%arg7 : memref<80x128xf32, #tpu.memory_space<vmem>>) target(%dma_start3A_31 : memref<10240x128xf32, #tpu.memory_space<vmem_shared>>) offsets(%dma_start3A_28 : memref<80xi32, #tpu.memory_space<vmem>>) semaphore(%run_scoped3A_26 : memref<!tpu.dma_semaphore, #tpu.memory_space<semaphore_mem>>) {add = true}
        %dma_wait3A = arith.constant 0 : i32
        %dma_wait3A_32 = tpu.memref_slice %arg6[%run_scoped3A_19, %dma_wait3A] : memref<8x80xi32, #tpu.memory_space<vmem>> -> memref<1x80xi32, #tpu.memory_space<vmem>>
        %dma_wait3A_33 = tpu.memref_squeeze %dma_wait3A_32 : memref<1x80xi32, #tpu.memory_space<vmem>> -> memref<80xi32, #tpu.memory_space<vmem>>
        %dma_wait3A_34 = arith.constant 0 : i32
        %dma_wait3A_35 = arith.constant 0 : i32
        %dma_wait3A_36 = tpu.memref_slice %arg8[%dma_wait3A_34, %dma_wait3A_35] : memref<10240x128xf32, #tpu.memory_space<vmem_shared>> -> memref<10240x128xf32, #tpu.memory_space<vmem_shared>>
        tpu.wait_indirect_dma semaphore(%run_scoped3A_26 : memref<!tpu.dma_semaphore, #tpu.memory_space<semaphore_mem>>) src(%arg7 : memref<80x128xf32, #tpu.memory_space<vmem>>) dst(%dma_wait3A_36 : memref<10240x128xf32, #tpu.memory_space<vmem_shared>>)
        tpu.yield
      }) : () -> ()
      %run_scoped3A_20 = arith.constant 3 : i32
      "tpu.region"() ({
        %run_scoped3A_26 = tpu.sem_alloc : memref<!tpu.dma_semaphore, #tpu.memory_space<semaphore_mem>>
        %dma_start3A = arith.constant 0 : i32
        %dma_start3A_27 = tpu.memref_slice %arg6[%run_scoped3A_20, %dma_start3A] : memref<8x80xi32, #tpu.memory_space<vmem>> -> memref<1x80xi32, #tpu.memory_space<vmem>>
        %dma_start3A_28 = tpu.memref_squeeze %dma_start3A_27 : memref<1x80xi32, #tpu.memory_space<vmem>> -> memref<80xi32, #tpu.memory_space<vmem>>
        %dma_start3A_29 = arith.constant 0 : i32
        %dma_start3A_30 = arith.constant 0 : i32
        %dma_start3A_31 = tpu.memref_slice %arg8[%dma_start3A_29, %dma_start3A_30] : memref<10240x128xf32, #tpu.memory_space<vmem_shared>> -> memref<10240x128xf32, #tpu.memory_space<vmem_shared>>
        tpu.enqueue_indirect_dma source(%arg7 : memref<80x128xf32, #tpu.memory_space<vmem>>) target(%dma_start3A_31 : memref<10240x128xf32, #tpu.memory_space<vmem_shared>>) offsets(%dma_start3A_28 : memref<80xi32, #tpu.memory_space<vmem>>) semaphore(%run_scoped3A_26 : memref<!tpu.dma_semaphore, #tpu.memory_space<semaphore_mem>>) {add = true}
        %dma_wait3A = arith.constant 0 : i32
        %dma_wait3A_32 = tpu.memref_slice %arg6[%run_scoped3A_20, %dma_wait3A] : memref<8x80xi32, #tpu.memory_space<vmem>> -> memref<1x80xi32, #tpu.memory_space<vmem>>
        %dma_wait3A_33 = tpu.memref_squeeze %dma_wait3A_32 : memref<1x80xi32, #tpu.memory_space<vmem>> -> memref<80xi32, #tpu.memory_space<vmem>>
        %dma_wait3A_34 = arith.constant 0 : i32
        %dma_wait3A_35 = arith.constant 0 : i32
        %dma_wait3A_36 = tpu.memref_slice %arg8[%dma_wait3A_34, %dma_wait3A_35] : memref<10240x128xf32, #tpu.memory_space<vmem_shared>> -> memref<10240x128xf32, #tpu.memory_space<vmem_shared>>
        tpu.wait_indirect_dma semaphore(%run_scoped3A_26 : memref<!tpu.dma_semaphore, #tpu.memory_space<semaphore_mem>>) src(%arg7 : memref<80x128xf32, #tpu.memory_space<vmem>>) dst(%dma_wait3A_36 : memref<10240x128xf32, #tpu.memory_space<vmem_shared>>)
        tpu.yield
      }) : () -> ()
      %run_scoped3A_21 = arith.constant 4 : i32
      "tpu.region"() ({
        %run_scoped3A_26 = tpu.sem_alloc : memref<!tpu.dma_semaphore, #tpu.memory_space<semaphore_mem>>
        %dma_start3A = arith.constant 0 : i32
        %dma_start3A_27 = tpu.memref_slice %arg6[%run_scoped3A_21, %dma_start3A] : memref<8x80xi32, #tpu.memory_space<vmem>> -> memref<1x80xi32, #tpu.memory_space<vmem>>
        %dma_start3A_28 = tpu.memref_squeeze %dma_start3A_27 : memref<1x80xi32, #tpu.memory_space<vmem>> -> memref<80xi32, #tpu.memory_space<vmem>>
        %dma_start3A_29 = arith.constant 0 : i32
        %dma_start3A_30 = arith.constant 0 : i32
        %dma_start3A_31 = tpu.memref_slice %arg8[%dma_start3A_29, %dma_start3A_30] : memref<10240x128xf32, #tpu.memory_space<vmem_shared>> -> memref<10240x128xf32, #tpu.memory_space<vmem_shared>>
        tpu.enqueue_indirect_dma source(%arg7 : memref<80x128xf32, #tpu.memory_space<vmem>>) target(%dma_start3A_31 : memref<10240x128xf32, #tpu.memory_space<vmem_shared>>) offsets(%dma_start3A_28 : memref<80xi32, #tpu.memory_space<vmem>>) semaphore(%run_scoped3A_26 : memref<!tpu.dma_semaphore, #tpu.memory_space<semaphore_mem>>) {add = true}
        %dma_wait3A = arith.constant 0 : i32
        %dma_wait3A_32 = tpu.memref_slice %arg6[%run_scoped3A_21, %dma_wait3A] : memref<8x80xi32, #tpu.memory_space<vmem>> -> memref<1x80xi32, #tpu.memory_space<vmem>>
        %dma_wait3A_33 = tpu.memref_squeeze %dma_wait3A_32 : memref<1x80xi32, #tpu.memory_space<vmem>> -> memref<80xi32, #tpu.memory_space<vmem>>
        %dma_wait3A_34 = arith.constant 0 : i32
        %dma_wait3A_35 = arith.constant 0 : i32
        %dma_wait3A_36 = tpu.memref_slice %arg8[%dma_wait3A_34, %dma_wait3A_35] : memref<10240x128xf32, #tpu.memory_space<vmem_shared>> -> memref<10240x128xf32, #tpu.memory_space<vmem_shared>>
        tpu.wait_indirect_dma semaphore(%run_scoped3A_26 : memref<!tpu.dma_semaphore, #tpu.memory_space<semaphore_mem>>) src(%arg7 : memref<80x128xf32, #tpu.memory_space<vmem>>) dst(%dma_wait3A_36 : memref<10240x128xf32, #tpu.memory_space<vmem_shared>>)
        tpu.yield
      }) : () -> ()
      %run_scoped3A_22 = arith.constant 5 : i32
      "tpu.region"() ({
        %run_scoped3A_26 = tpu.sem_alloc : memref<!tpu.dma_semaphore, #tpu.memory_space<semaphore_mem>>
        %dma_start3A = arith.constant 0 : i32
        %dma_start3A_27 = tpu.memref_slice %arg6[%run_scoped3A_22, %dma_start3A] : memref<8x80xi32, #tpu.memory_space<vmem>> -> memref<1x80xi32, #tpu.memory_space<vmem>>
        %dma_start3A_28 = tpu.memref_squeeze %dma_start3A_27 : memref<1x80xi32, #tpu.memory_space<vmem>> -> memref<80xi32, #tpu.memory_space<vmem>>
        %dma_start3A_29 = arith.constant 0 : i32
        %dma_start3A_30 = arith.constant 0 : i32
        %dma_start3A_31 = tpu.memref_slice %arg8[%dma_start3A_29, %dma_start3A_30] : memref<10240x128xf32, #tpu.memory_space<vmem_shared>> -> memref<10240x128xf32, #tpu.memory_space<vmem_shared>>
        tpu.enqueue_indirect_dma source(%arg7 : memref<80x128xf32, #tpu.memory_space<vmem>>) target(%dma_start3A_31 : memref<10240x128xf32, #tpu.memory_space<vmem_shared>>) offsets(%dma_start3A_28 : memref<80xi32, #tpu.memory_space<vmem>>) semaphore(%run_scoped3A_26 : memref<!tpu.dma_semaphore, #tpu.memory_space<semaphore_mem>>) {add = true}
        %dma_wait3A = arith.constant 0 : i32
        %dma_wait3A_32 = tpu.memref_slice %arg6[%run_scoped3A_22, %dma_wait3A] : memref<8x80xi32, #tpu.memory_space<vmem>> -> memref<1x80xi32, #tpu.memory_space<vmem>>
        %dma_wait3A_33 = tpu.memref_squeeze %dma_wait3A_32 : memref<1x80xi32, #tpu.memory_space<vmem>> -> memref<80xi32, #tpu.memory_space<vmem>>
        %dma_wait3A_34 = arith.constant 0 : i32
        %dma_wait3A_35 = arith.constant 0 : i32
        %dma_wait3A_36 = tpu.memref_slice %arg8[%dma_wait3A_34, %dma_wait3A_35] : memref<10240x128xf32, #tpu.memory_space<vmem_shared>> -> memref<10240x128xf32, #tpu.memory_space<vmem_shared>>
        tpu.wait_indirect_dma semaphore(%run_scoped3A_26 : memref<!tpu.dma_semaphore, #tpu.memory_space<semaphore_mem>>) src(%arg7 : memref<80x128xf32, #tpu.memory_space<vmem>>) dst(%dma_wait3A_36 : memref<10240x128xf32, #tpu.memory_space<vmem_shared>>)
        tpu.yield
      }) : () -> ()
      %run_scoped3A_23 = arith.constant 6 : i32
      "tpu.region"() ({
        %run_scoped3A_26 = tpu.sem_alloc : memref<!tpu.dma_semaphore, #tpu.memory_space<semaphore_mem>>
        %dma_start3A = arith.constant 0 : i32
        %dma_start3A_27 = tpu.memref_slice %arg6[%run_scoped3A_23, %dma_start3A] : memref<8x80xi32, #tpu.memory_space<vmem>> -> memref<1x80xi32, #tpu.memory_space<vmem>>
        %dma_start3A_28 = tpu.memref_squeeze %dma_start3A_27 : memref<1x80xi32, #tpu.memory_space<vmem>> -> memref<80xi32, #tpu.memory_space<vmem>>
        %dma_start3A_29 = arith.constant 0 : i32
        %dma_start3A_30 = arith.constant 0 : i32
        %dma_start3A_31 = tpu.memref_slice %arg8[%dma_start3A_29, %dma_start3A_30] : memref<10240x128xf32, #tpu.memory_space<vmem_shared>> -> memref<10240x128xf32, #tpu.memory_space<vmem_shared>>
        tpu.enqueue_indirect_dma source(%arg7 : memref<80x128xf32, #tpu.memory_space<vmem>>) target(%dma_start3A_31 : memref<10240x128xf32, #tpu.memory_space<vmem_shared>>) offsets(%dma_start3A_28 : memref<80xi32, #tpu.memory_space<vmem>>) semaphore(%run_scoped3A_26 : memref<!tpu.dma_semaphore, #tpu.memory_space<semaphore_mem>>) {add = true}
        %dma_wait3A = arith.constant 0 : i32
        %dma_wait3A_32 = tpu.memref_slice %arg6[%run_scoped3A_23, %dma_wait3A] : memref<8x80xi32, #tpu.memory_space<vmem>> -> memref<1x80xi32, #tpu.memory_space<vmem>>
        %dma_wait3A_33 = tpu.memref_squeeze %dma_wait3A_32 : memref<1x80xi32, #tpu.memory_space<vmem>> -> memref<80xi32, #tpu.memory_space<vmem>>
        %dma_wait3A_34 = arith.constant 0 : i32
        %dma_wait3A_35 = arith.constant 0 : i32
        %dma_wait3A_36 = tpu.memref_slice %arg8[%dma_wait3A_34, %dma_wait3A_35] : memref<10240x128xf32, #tpu.memory_space<vmem_shared>> -> memref<10240x128xf32, #tpu.memory_space<vmem_shared>>
        tpu.wait_indirect_dma semaphore(%run_scoped3A_26 : memref<!tpu.dma_semaphore, #tpu.memory_space<semaphore_mem>>) src(%arg7 : memref<80x128xf32, #tpu.memory_space<vmem>>) dst(%dma_wait3A_36 : memref<10240x128xf32, #tpu.memory_space<vmem_shared>>)
        tpu.yield
      }) : () -> ()
      %run_scoped3A_24 = arith.constant 7 : i32
      "tpu.region"() ({
        %run_scoped3A_26 = tpu.sem_alloc : memref<!tpu.dma_semaphore, #tpu.memory_space<semaphore_mem>>
        %dma_start3A = arith.constant 0 : i32
        %dma_start3A_27 = tpu.memref_slice %arg6[%run_scoped3A_24, %dma_start3A] : memref<8x80xi32, #tpu.memory_space<vmem>> -> memref<1x80xi32, #tpu.memory_space<vmem>>
        %dma_start3A_28 = tpu.memref_squeeze %dma_start3A_27 : memref<1x80xi32, #tpu.memory_space<vmem>> -> memref<80xi32, #tpu.memory_space<vmem>>
        %dma_start3A_29 = arith.constant 0 : i32
        %dma_start3A_30 = arith.constant 0 : i32
        %dma_start3A_31 = tpu.memref_slice %arg8[%dma_start3A_29, %dma_start3A_30] : memref<10240x128xf32, #tpu.memory_space<vmem_shared>> -> memref<10240x128xf32, #tpu.memory_space<vmem_shared>>
        tpu.enqueue_indirect_dma source(%arg7 : memref<80x128xf32, #tpu.memory_space<vmem>>) target(%dma_start3A_31 : memref<10240x128xf32, #tpu.memory_space<vmem_shared>>) offsets(%dma_start3A_28 : memref<80xi32, #tpu.memory_space<vmem>>) semaphore(%run_scoped3A_26 : memref<!tpu.dma_semaphore, #tpu.memory_space<semaphore_mem>>) {add = true}
        %dma_wait3A = arith.constant 0 : i32
        %dma_wait3A_32 = tpu.memref_slice %arg6[%run_scoped3A_24, %dma_wait3A] : memref<8x80xi32, #tpu.memory_space<vmem>> -> memref<1x80xi32, #tpu.memory_space<vmem>>
        %dma_wait3A_33 = tpu.memref_squeeze %dma_wait3A_32 : memref<1x80xi32, #tpu.memory_space<vmem>> -> memref<80xi32, #tpu.memory_space<vmem>>
        %dma_wait3A_34 = arith.constant 0 : i32
        %dma_wait3A_35 = arith.constant 0 : i32
        %dma_wait3A_36 = tpu.memref_slice %arg8[%dma_wait3A_34, %dma_wait3A_35] : memref<10240x128xf32, #tpu.memory_space<vmem_shared>> -> memref<10240x128xf32, #tpu.memory_space<vmem_shared>>
        tpu.wait_indirect_dma semaphore(%run_scoped3A_26 : memref<!tpu.dma_semaphore, #tpu.memory_space<semaphore_mem>>) src(%arg7 : memref<80x128xf32, #tpu.memory_space<vmem>>) dst(%dma_wait3A_36 : memref<10240x128xf32, #tpu.memory_space<vmem_shared>>)
        tpu.yield
      }) : () -> ()
      %scan3A_25 = arith.constant 0 : i32
      scf.yield %scan3A_25 : i32
    }
    %scan3A_8 = arith.constant 16 : i32
    %barrier3A_9 = arith.constant 0 : index
    tpu.barrier barrier_id(%barrier3A_9)
    %mul3A_10 = arith.constant 640 : i32
    %mul3A_11 = arith.muli %arg1, %mul3A_10 : i32
    %mul3A_12 = arith.constant 640 : i32
    %mul3A_13 = arith.muli %arg1, %mul3A_12 : i32
    "tpu.region"() ({
      %run_scoped3A = tpu.sem_alloc : memref<!tpu.dma_semaphore, #tpu.memory_space<semaphore_mem>>
      %dma_start3A = arith.constant 0 : i32
      %dma_start3A_14 = tpu.memref_slice %arg5[%arg0, %mul3A_13, %dma_start3A] : memref<2x10240x128xf32, #tpu.memory_space<hbm>> -> memref<1x640x128xf32, #tpu.memory_space<hbm>>
      %dma_start3A_15 = tpu.memref_squeeze %dma_start3A_14 : memref<1x640x128xf32, #tpu.memory_space<hbm>> -> memref<640x128xf32, #tpu.memory_space<hbm>>
      %dma_start3A_16 = arith.constant 0 : i32
      %dma_start3A_17 = tpu.memref_slice %arg8[%mul3A_11, %dma_start3A_16] : memref<10240x128xf32, #tpu.memory_space<vmem_shared>> -> memref<640x128xf32, #tpu.memory_space<vmem_shared>>
      tpu.enqueue_dma source(%dma_start3A_17 : memref<640x128xf32, #tpu.memory_space<vmem_shared>>) target(%dma_start3A_15 : memref<640x128xf32, #tpu.memory_space<hbm>>) target_semaphore(%run_scoped3A : memref<!tpu.dma_semaphore, #tpu.memory_space<semaphore_mem>>)
      %dma_wait3A = arith.constant 0 : i32
      %dma_wait3A_18 = tpu.memref_slice %arg5[%arg0, %mul3A_13, %dma_wait3A] : memref<2x10240x128xf32, #tpu.memory_space<hbm>> -> memref<1x640x128xf32, #tpu.memory_space<hbm>>
      %dma_wait3A_19 = tpu.memref_squeeze %dma_wait3A_18 : memref<1x640x128xf32, #tpu.memory_space<hbm>> -> memref<640x128xf32, #tpu.memory_space<hbm>>
      %dma_wait3A_20 = arith.constant 0 : i32
      %dma_wait3A_21 = tpu.memref_slice %arg8[%mul3A_11, %dma_wait3A_20] : memref<10240x128xf32, #tpu.memory_space<vmem_shared>> -> memref<640x128xf32, #tpu.memory_space<vmem_shared>>
      tpu.wait_dma2 semaphore(%run_scoped3A : memref<!tpu.dma_semaphore, #tpu.memory_space<semaphore_mem>>) src(%dma_wait3A_21 : memref<640x128xf32, #tpu.memory_space<vmem_shared>>) dst(%dma_wait3A_19 : memref<640x128xf32, #tpu.memory_space<hbm>>)
      tpu.yield
    }) : () -> ()
    return
  }
}

#map = affine_map<(d0, d1) -> (0, 0)>
#map1 = affine_map<(d0, d1) -> (0, 0, 0)>
module attributes {stable_mosaic.version = 14 : i64} {
  func.func @_scatter_kernel(%arg0: i32, %arg1: i32, %arg2: memref<10000x128xf32, #tpu.memory_space<hbm>>, %arg3: memref<32x144x80xi32, #tpu.memory_space<hbm>>, %arg4: memref<32x144x80xi32, #tpu.memory_space<hbm>>, %arg5: memref<640x128xf32, #tpu.memory_space<hbm>>, %arg6: memref<2x10240x128xf32, #tpu.memory_space<hbm>>, %arg7: memref<8x80xi32, #tpu.memory_space<vmem>>, %arg8: memref<8x80xi32, #tpu.memory_space<vmem>>, %arg9: memref<8x80xi32, #tpu.memory_space<vmem>>, %arg10: memref<8x80xi32, #tpu.memory_space<vmem>>, %arg11: memref<80x128xf32, #tpu.memory_space<vmem>>, %arg12: memref<80x128xf32, #tpu.memory_space<vmem>>, %arg13: memref<10240x128xf32, #tpu.memory_space<vmem_shared>>, %arg14: memref<!tpu.dma_semaphore, #tpu.memory_space<semaphore_mem>>, %arg15: memref<!tpu.dma_semaphore, #tpu.memory_space<semaphore_mem>>, %arg16: memref<!tpu.dma_semaphore, #tpu.memory_space<semaphore_mem>>, %arg17: memref<!tpu.dma_semaphore, #tpu.memory_space<semaphore_mem>>, %arg18: memref<!tpu.dma_semaphore, #tpu.memory_space<semaphore_mem>>, %arg19: memref<!tpu.dma_semaphore, #tpu.memory_space<semaphore_mem>>) attributes {dimension_semantics = [#tpu.dimension_semantics<core_parallel>, #tpu.dimension_semantics<subcore_parallel>], iteration_bounds = array<i64: 2, 16>, scalar_prefetch = 0 : i64, scratch_operands = 13 : i64, tpu.core_type = #tpu.core_type<sc_vector_subcore>, window_params = [{transform_indices = #map}, {transform_indices = #map1}, {transform_indices = #map1}, {transform_indices = #map}, {transform_indices = #map1}]} {
    %mul3A = arith.constant 2 : i32
    %mul3A_0 = arith.muli %arg1, %mul3A : i32
    %add3A = arith.addi %mul3A_0, %arg0 : i32
    %mul3A_1 = arith.constant 640 : i32
    %mul3A_2 = arith.muli %arg1, %mul3A_1 : i32
    "tpu.region"() ({
      %run_scoped3A = tpu.sem_alloc : memref<!tpu.dma_semaphore, #tpu.memory_space<semaphore_mem>>
      %dma_start3A = arith.constant 0 : i32
      %dma_start3A_14 = tpu.memref_slice %arg13[%mul3A_2, %dma_start3A] : memref<10240x128xf32, #tpu.memory_space<vmem_shared>> -> memref<640x128xf32, #tpu.memory_space<vmem_shared>>
      tpu.enqueue_dma source(%arg5 : memref<640x128xf32, #tpu.memory_space<hbm>>) target(%dma_start3A_14 : memref<640x128xf32, #tpu.memory_space<vmem_shared>>) target_semaphore(%run_scoped3A : memref<!tpu.dma_semaphore, #tpu.memory_space<semaphore_mem>>)
      %dma_wait3A = arith.constant 0 : i32
      %dma_wait3A_15 = tpu.memref_slice %arg13[%mul3A_2, %dma_wait3A] : memref<10240x128xf32, #tpu.memory_space<vmem_shared>> -> memref<640x128xf32, #tpu.memory_space<vmem_shared>>
      tpu.wait_dma2 semaphore(%run_scoped3A : memref<!tpu.dma_semaphore, #tpu.memory_space<semaphore_mem>>) src(%arg5 : memref<640x128xf32, #tpu.memory_space<hbm>>) dst(%dma_wait3A_15 : memref<640x128xf32, #tpu.memory_space<vmem_shared>>)
      tpu.yield
    }) : () -> ()
    %barrier3A = arith.constant 0 : index
    tpu.barrier barrier_id(%barrier3A)
    %scan3A = arith.constant 0 : i32
    %scan3A_3 = arith.constant 0 : i32
    %scan3A_4 = arith.constant 8 : i32
    %scan3A_5 = arith.addi %scan3A_3, %scan3A_4 : i32
    %scan3A_6 = arith.constant 1 : i32
    %scan3A_7 = scf.for %scan3A_14 = %scan3A_3 to %scan3A_5 step %scan3A_6 iter_args(%scan3A_15 = %scan3A) -> (i32)  : i32 {
      %mul3A_16 = arith.constant 2 : i32
      %mul3A_17 = arith.muli %mul3A_16, %scan3A_14 : i32
      %mul3A_18 = arith.constant 8 : i32
      %mul3A_19 = arith.muli %mul3A_17, %mul3A_18 : i32
      %multiple_of3A = tpu.assume_multiple %mul3A_19, 8 : i32
      "tpu.region"() ({
        %run_scoped3A_263 = tpu.sem_alloc : memref<!tpu.dma_semaphore, #tpu.memory_space<semaphore_mem>>
        %dma_start3A_264 = arith.constant 0 : i32
        %dma_start3A_265 = tpu.memref_slice %arg3[%add3A, %multiple_of3A, %dma_start3A_264] : memref<32x144x80xi32, #tpu.memory_space<hbm>> -> memref<1x8x80xi32, #tpu.memory_space<hbm>>
        %dma_start3A_266 = tpu.memref_squeeze %dma_start3A_265 : memref<1x8x80xi32, #tpu.memory_space<hbm>> -> memref<8x80xi32, #tpu.memory_space<hbm>>
        %dma_start3A_267 = arith.constant 0 : i32
        %dma_start3A_268 = tpu.memref_slice %arg3[%add3A, %multiple_of3A, %dma_start3A_267] : memref<32x144x80xi32, #tpu.memory_space<hbm>> -> memref<1x8x80xi32, #tpu.memory_space<hbm>>
        %dma_start3A_269 = tpu.memref_squeeze %dma_start3A_268 : memref<1x8x80xi32, #tpu.memory_space<hbm>> -> memref<8x80xi32, #tpu.memory_space<hbm>>
        tpu.enqueue_dma source(%dma_start3A_269 : memref<8x80xi32, #tpu.memory_space<hbm>>) target(%arg7 : memref<8x80xi32, #tpu.memory_space<vmem>>) target_semaphore(%run_scoped3A_263 : memref<!tpu.dma_semaphore, #tpu.memory_space<semaphore_mem>>)
        %dma_wait3A_270 = arith.constant 0 : i32
        %dma_wait3A_271 = tpu.memref_slice %arg3[%add3A, %multiple_of3A, %dma_wait3A_270] : memref<32x144x80xi32, #tpu.memory_space<hbm>> -> memref<1x8x80xi32, #tpu.memory_space<hbm>>
        %dma_wait3A_272 = tpu.memref_squeeze %dma_wait3A_271 : memref<1x8x80xi32, #tpu.memory_space<hbm>> -> memref<8x80xi32, #tpu.memory_space<hbm>>
        %dma_wait3A_273 = arith.constant 0 : i32
        %dma_wait3A_274 = tpu.memref_slice %arg3[%add3A, %multiple_of3A, %dma_wait3A_273] : memref<32x144x80xi32, #tpu.memory_space<hbm>> -> memref<1x8x80xi32, #tpu.memory_space<hbm>>
        %dma_wait3A_275 = tpu.memref_squeeze %dma_wait3A_274 : memref<1x8x80xi32, #tpu.memory_space<hbm>> -> memref<8x80xi32, #tpu.memory_space<hbm>>
        tpu.wait_dma2 semaphore(%run_scoped3A_263 : memref<!tpu.dma_semaphore, #tpu.memory_space<semaphore_mem>>) src(%dma_wait3A_275 : memref<8x80xi32, #tpu.memory_space<hbm>>) dst(%arg7 : memref<8x80xi32, #tpu.memory_space<vmem>>)
        tpu.yield
      }) : () -> ()
      "tpu.region"() ({
        %run_scoped3A_263 = tpu.sem_alloc : memref<!tpu.dma_semaphore, #tpu.memory_space<semaphore_mem>>
        %dma_start3A_264 = arith.constant 0 : i32
        %dma_start3A_265 = tpu.memref_slice %arg4[%add3A, %multiple_of3A, %dma_start3A_264] : memref<32x144x80xi32, #tpu.memory_space<hbm>> -> memref<1x8x80xi32, #tpu.memory_space<hbm>>
        %dma_start3A_266 = tpu.memref_squeeze %dma_start3A_265 : memref<1x8x80xi32, #tpu.memory_space<hbm>> -> memref<8x80xi32, #tpu.memory_space<hbm>>
        %dma_start3A_267 = arith.constant 0 : i32
        %dma_start3A_268 = tpu.memref_slice %arg4[%add3A, %multiple_of3A, %dma_start3A_267] : memref<32x144x80xi32, #tpu.memory_space<hbm>> -> memref<1x8x80xi32, #tpu.memory_space<hbm>>
        %dma_start3A_269 = tpu.memref_squeeze %dma_start3A_268 : memref<1x8x80xi32, #tpu.memory_space<hbm>> -> memref<8x80xi32, #tpu.memory_space<hbm>>
        tpu.enqueue_dma source(%dma_start3A_269 : memref<8x80xi32, #tpu.memory_space<hbm>>) target(%arg8 : memref<8x80xi32, #tpu.memory_space<vmem>>) target_semaphore(%run_scoped3A_263 : memref<!tpu.dma_semaphore, #tpu.memory_space<semaphore_mem>>)
        %dma_wait3A_270 = arith.constant 0 : i32
        %dma_wait3A_271 = tpu.memref_slice %arg4[%add3A, %multiple_of3A, %dma_wait3A_270] : memref<32x144x80xi32, #tpu.memory_space<hbm>> -> memref<1x8x80xi32, #tpu.memory_space<hbm>>
        %dma_wait3A_272 = tpu.memref_squeeze %dma_wait3A_271 : memref<1x8x80xi32, #tpu.memory_space<hbm>> -> memref<8x80xi32, #tpu.memory_space<hbm>>
        %dma_wait3A_273 = arith.constant 0 : i32
        %dma_wait3A_274 = tpu.memref_slice %arg4[%add3A, %multiple_of3A, %dma_wait3A_273] : memref<32x144x80xi32, #tpu.memory_space<hbm>> -> memref<1x8x80xi32, #tpu.memory_space<hbm>>
        %dma_wait3A_275 = tpu.memref_squeeze %dma_wait3A_274 : memref<1x8x80xi32, #tpu.memory_space<hbm>> -> memref<8x80xi32, #tpu.memory_space<hbm>>
        tpu.wait_dma2 semaphore(%run_scoped3A_263 : memref<!tpu.dma_semaphore, #tpu.memory_space<semaphore_mem>>) src(%dma_wait3A_275 : memref<8x80xi32, #tpu.memory_space<hbm>>) dst(%arg8 : memref<8x80xi32, #tpu.memory_space<vmem>>)
        tpu.yield
      }) : () -> ()
      %dma_start3A = arith.constant 0 : i32
      %dma_start3A_20 = arith.constant 0 : i32
      %dma_start3A_21 = tpu.memref_slice %arg7[%dma_start3A, %dma_start3A_20] : memref<8x80xi32, #tpu.memory_space<vmem>> -> memref<1x80xi32, #tpu.memory_space<vmem>>
      %dma_start3A_22 = tpu.memref_squeeze %dma_start3A_21 : memref<1x80xi32, #tpu.memory_space<vmem>> -> memref<80xi32, #tpu.memory_space<vmem>>
      %dma_start3A_23 = arith.constant 0 : i32
      %dma_start3A_24 = arith.constant 0 : i32
      %dma_start3A_25 = tpu.memref_slice %arg2[%dma_start3A_23, %dma_start3A_24] : memref<10000x128xf32, #tpu.memory_space<hbm>> -> memref<10000x128xf32, #tpu.memory_space<hbm>>
      tpu.enqueue_indirect_dma source(%dma_start3A_25 : memref<10000x128xf32, #tpu.memory_space<hbm>>) target(%arg11 : memref<80x128xf32, #tpu.memory_space<vmem>>) offsets(%dma_start3A_22 : memref<80xi32, #tpu.memory_space<vmem>>) semaphore(%arg16 : memref<!tpu.dma_semaphore, #tpu.memory_space<semaphore_mem>>)
      %dma_start3A_26 = arith.constant 1 : i32
      %dma_start3A_27 = arith.constant 0 : i32
      %dma_start3A_28 = tpu.memref_slice %arg7[%dma_start3A_26, %dma_start3A_27] : memref<8x80xi32, #tpu.memory_space<vmem>> -> memref<1x80xi32, #tpu.memory_space<vmem>>
      %dma_start3A_29 = tpu.memref_squeeze %dma_start3A_28 : memref<1x80xi32, #tpu.memory_space<vmem>> -> memref<80xi32, #tpu.memory_space<vmem>>
      %dma_start3A_30 = arith.constant 0 : i32
      %dma_start3A_31 = arith.constant 0 : i32
      %dma_start3A_32 = tpu.memref_slice %arg2[%dma_start3A_30, %dma_start3A_31] : memref<10000x128xf32, #tpu.memory_space<hbm>> -> memref<10000x128xf32, #tpu.memory_space<hbm>>
      tpu.enqueue_indirect_dma source(%dma_start3A_32 : memref<10000x128xf32, #tpu.memory_space<hbm>>) target(%arg12 : memref<80x128xf32, #tpu.memory_space<vmem>>) offsets(%dma_start3A_29 : memref<80xi32, #tpu.memory_space<vmem>>) semaphore(%arg17 : memref<!tpu.dma_semaphore, #tpu.memory_space<semaphore_mem>>)
      %dma_wait3A = arith.constant 0 : i32
      %dma_wait3A_33 = arith.constant 0 : i32
      %dma_wait3A_34 = tpu.memref_slice %arg7[%dma_wait3A, %dma_wait3A_33] : memref<8x80xi32, #tpu.memory_space<vmem>> -> memref<1x80xi32, #tpu.memory_space<vmem>>
      %dma_wait3A_35 = tpu.memref_squeeze %dma_wait3A_34 : memref<1x80xi32, #tpu.memory_space<vmem>> -> memref<80xi32, #tpu.memory_space<vmem>>
      %dma_wait3A_36 = arith.constant 0 : i32
      %dma_wait3A_37 = arith.constant 0 : i32
      %dma_wait3A_38 = tpu.memref_slice %arg2[%dma_wait3A_36, %dma_wait3A_37] : memref<10000x128xf32, #tpu.memory_space<hbm>> -> memref<10000x128xf32, #tpu.memory_space<hbm>>
      tpu.wait_indirect_dma semaphore(%arg16 : memref<!tpu.dma_semaphore, #tpu.memory_space<semaphore_mem>>) src(%dma_wait3A_38 : memref<10000x128xf32, #tpu.memory_space<hbm>>) dst(%arg11 : memref<80x128xf32, #tpu.memory_space<vmem>>)
      %run_scoped3A = arith.constant 0 : i32
      "tpu.region"() ({
        %run_scoped3A_263 = tpu.sem_alloc : memref<!tpu.dma_semaphore, #tpu.memory_space<semaphore_mem>>
        %dma_start3A_264 = arith.constant 0 : i32
        %dma_start3A_265 = tpu.memref_slice %arg8[%run_scoped3A, %dma_start3A_264] : memref<8x80xi32, #tpu.memory_space<vmem>> -> memref<1x80xi32, #tpu.memory_space<vmem>>
        %dma_start3A_266 = tpu.memref_squeeze %dma_start3A_265 : memref<1x80xi32, #tpu.memory_space<vmem>> -> memref<80xi32, #tpu.memory_space<vmem>>
        %dma_start3A_267 = arith.constant 0 : i32
        %dma_start3A_268 = arith.constant 0 : i32
        %dma_start3A_269 = tpu.memref_slice %arg13[%dma_start3A_267, %dma_start3A_268] : memref<10240x128xf32, #tpu.memory_space<vmem_shared>> -> memref<10240x128xf32, #tpu.memory_space<vmem_shared>>
        tpu.enqueue_indirect_dma source(%arg11 : memref<80x128xf32, #tpu.memory_space<vmem>>) target(%dma_start3A_269 : memref<10240x128xf32, #tpu.memory_space<vmem_shared>>) offsets(%dma_start3A_266 : memref<80xi32, #tpu.memory_space<vmem>>) semaphore(%run_scoped3A_263 : memref<!tpu.dma_semaphore, #tpu.memory_space<semaphore_mem>>) {add = true}
        %dma_wait3A_270 = arith.constant 0 : i32
        %dma_wait3A_271 = tpu.memref_slice %arg8[%run_scoped3A, %dma_wait3A_270] : memref<8x80xi32, #tpu.memory_space<vmem>> -> memref<1x80xi32, #tpu.memory_space<vmem>>
        %dma_wait3A_272 = tpu.memref_squeeze %dma_wait3A_271 : memref<1x80xi32, #tpu.memory_space<vmem>> -> memref<80xi32, #tpu.memory_space<vmem>>
        %dma_wait3A_273 = arith.constant 0 : i32
        %dma_wait3A_274 = arith.constant 0 : i32
        %dma_wait3A_275 = tpu.memref_slice %arg13[%dma_wait3A_273, %dma_wait3A_274] : memref<10240x128xf32, #tpu.memory_space<vmem_shared>> -> memref<10240x128xf32, #tpu.memory_space<vmem_shared>>
        tpu.wait_indirect_dma semaphore(%run_scoped3A_263 : memref<!tpu.dma_semaphore, #tpu.memory_space<semaphore_mem>>) src(%arg11 : memref<80x128xf32, #tpu.memory_space<vmem>>) dst(%dma_wait3A_275 : memref<10240x128xf32, #tpu.memory_space<vmem_shared>>)
        tpu.yield
      }) : () -> ()
      %dma_start3A_39 = arith.constant 2 : i32
      %dma_start3A_40 = arith.constant 0 : i32
      %dma_start3A_41 = tpu.memref_slice %arg7[%dma_start3A_39, %dma_start3A_40] : memref<8x80xi32, #tpu.memory_space<vmem>> -> memref<1x80xi32, #tpu.memory_space<vmem>>
      %dma_start3A_42 = tpu.memref_squeeze %dma_start3A_41 : memref<1x80xi32, #tpu.memory_space<vmem>> -> memref<80xi32, #tpu.memory_space<vmem>>
      %dma_start3A_43 = arith.constant 0 : i32
      %dma_start3A_44 = arith.constant 0 : i32
      %dma_start3A_45 = tpu.memref_slice %arg2[%dma_start3A_43, %dma_start3A_44] : memref<10000x128xf32, #tpu.memory_space<hbm>> -> memref<10000x128xf32, #tpu.memory_space<hbm>>
      tpu.enqueue_indirect_dma source(%dma_start3A_45 : memref<10000x128xf32, #tpu.memory_space<hbm>>) target(%arg11 : memref<80x128xf32, #tpu.memory_space<vmem>>) offsets(%dma_start3A_42 : memref<80xi32, #tpu.memory_space<vmem>>) semaphore(%arg16 : memref<!tpu.dma_semaphore, #tpu.memory_space<semaphore_mem>>)
      %dma_wait3A_46 = arith.constant 1 : i32
      %dma_wait3A_47 = arith.constant 0 : i32
      %dma_wait3A_48 = tpu.memref_slice %arg7[%dma_wait3A_46, %dma_wait3A_47] : memref<8x80xi32, #tpu.memory_space<vmem>> -> memref<1x80xi32, #tpu.memory_space<vmem>>
      %dma_wait3A_49 = tpu.memref_squeeze %dma_wait3A_48 : memref<1x80xi32, #tpu.memory_space<vmem>> -> memref<80xi32, #tpu.memory_space<vmem>>
      %dma_wait3A_50 = arith.constant 0 : i32
      %dma_wait3A_51 = arith.constant 0 : i32
      %dma_wait3A_52 = tpu.memref_slice %arg2[%dma_wait3A_50, %dma_wait3A_51] : memref<10000x128xf32, #tpu.memory_space<hbm>> -> memref<10000x128xf32, #tpu.memory_space<hbm>>
      tpu.wait_indirect_dma semaphore(%arg17 : memref<!tpu.dma_semaphore, #tpu.memory_space<semaphore_mem>>) src(%dma_wait3A_52 : memref<10000x128xf32, #tpu.memory_space<hbm>>) dst(%arg12 : memref<80x128xf32, #tpu.memory_space<vmem>>)
      %run_scoped3A_53 = arith.constant 1 : i32
      "tpu.region"() ({
        %run_scoped3A_263 = tpu.sem_alloc : memref<!tpu.dma_semaphore, #tpu.memory_space<semaphore_mem>>
        %dma_start3A_264 = arith.constant 0 : i32
        %dma_start3A_265 = tpu.memref_slice %arg8[%run_scoped3A_53, %dma_start3A_264] : memref<8x80xi32, #tpu.memory_space<vmem>> -> memref<1x80xi32, #tpu.memory_space<vmem>>
        %dma_start3A_266 = tpu.memref_squeeze %dma_start3A_265 : memref<1x80xi32, #tpu.memory_space<vmem>> -> memref<80xi32, #tpu.memory_space<vmem>>
        %dma_start3A_267 = arith.constant 0 : i32
        %dma_start3A_268 = arith.constant 0 : i32
        %dma_start3A_269 = tpu.memref_slice %arg13[%dma_start3A_267, %dma_start3A_268] : memref<10240x128xf32, #tpu.memory_space<vmem_shared>> -> memref<10240x128xf32, #tpu.memory_space<vmem_shared>>
        tpu.enqueue_indirect_dma source(%arg12 : memref<80x128xf32, #tpu.memory_space<vmem>>) target(%dma_start3A_269 : memref<10240x128xf32, #tpu.memory_space<vmem_shared>>) offsets(%dma_start3A_266 : memref<80xi32, #tpu.memory_space<vmem>>) semaphore(%run_scoped3A_263 : memref<!tpu.dma_semaphore, #tpu.memory_space<semaphore_mem>>) {add = true}
        %dma_wait3A_270 = arith.constant 0 : i32
        %dma_wait3A_271 = tpu.memref_slice %arg8[%run_scoped3A_53, %dma_wait3A_270] : memref<8x80xi32, #tpu.memory_space<vmem>> -> memref<1x80xi32, #tpu.memory_space<vmem>>
        %dma_wait3A_272 = tpu.memref_squeeze %dma_wait3A_271 : memref<1x80xi32, #tpu.memory_space<vmem>> -> memref<80xi32, #tpu.memory_space<vmem>>
        %dma_wait3A_273 = arith.constant 0 : i32
        %dma_wait3A_274 = arith.constant 0 : i32
        %dma_wait3A_275 = tpu.memref_slice %arg13[%dma_wait3A_273, %dma_wait3A_274] : memref<10240x128xf32, #tpu.memory_space<vmem_shared>> -> memref<10240x128xf32, #tpu.memory_space<vmem_shared>>
        tpu.wait_indirect_dma semaphore(%run_scoped3A_263 : memref<!tpu.dma_semaphore, #tpu.memory_space<semaphore_mem>>) src(%arg12 : memref<80x128xf32, #tpu.memory_space<vmem>>) dst(%dma_wait3A_275 : memref<10240x128xf32, #tpu.memory_space<vmem_shared>>)
        tpu.yield
      }) : () -> ()
      %dma_start3A_54 = arith.constant 3 : i32
      %dma_start3A_55 = arith.constant 0 : i32
      %dma_start3A_56 = tpu.memref_slice %arg7[%dma_start3A_54, %dma_start3A_55] : memref<8x80xi32, #tpu.memory_space<vmem>> -> memref<1x80xi32, #tpu.memory_space<vmem>>
      %dma_start3A_57 = tpu.memref_squeeze %dma_start3A_56 : memref<1x80xi32, #tpu.memory_space<vmem>> -> memref<80xi32, #tpu.memory_space<vmem>>
      %dma_start3A_58 = arith.constant 0 : i32
      %dma_start3A_59 = arith.constant 0 : i32
      %dma_start3A_60 = tpu.memref_slice %arg2[%dma_start3A_58, %dma_start3A_59] : memref<10000x128xf32, #tpu.memory_space<hbm>> -> memref<10000x128xf32, #tpu.memory_space<hbm>>
      tpu.enqueue_indirect_dma source(%dma_start3A_60 : memref<10000x128xf32, #tpu.memory_space<hbm>>) target(%arg12 : memref<80x128xf32, #tpu.memory_space<vmem>>) offsets(%dma_start3A_57 : memref<80xi32, #tpu.memory_space<vmem>>) semaphore(%arg17 : memref<!tpu.dma_semaphore, #tpu.memory_space<semaphore_mem>>)
      %dma_wait3A_61 = arith.constant 2 : i32
      %dma_wait3A_62 = arith.constant 0 : i32
      %dma_wait3A_63 = tpu.memref_slice %arg7[%dma_wait3A_61, %dma_wait3A_62] : memref<8x80xi32, #tpu.memory_space<vmem>> -> memref<1x80xi32, #tpu.memory_space<vmem>>
      %dma_wait3A_64 = tpu.memref_squeeze %dma_wait3A_63 : memref<1x80xi32, #tpu.memory_space<vmem>> -> memref<80xi32, #tpu.memory_space<vmem>>
      %dma_wait3A_65 = arith.constant 0 : i32
      %dma_wait3A_66 = arith.constant 0 : i32
      %dma_wait3A_67 = tpu.memref_slice %arg2[%dma_wait3A_65, %dma_wait3A_66] : memref<10000x128xf32, #tpu.memory_space<hbm>> -> memref<10000x128xf32, #tpu.memory_space<hbm>>
      tpu.wait_indirect_dma semaphore(%arg16 : memref<!tpu.dma_semaphore, #tpu.memory_space<semaphore_mem>>) src(%dma_wait3A_67 : memref<10000x128xf32, #tpu.memory_space<hbm>>) dst(%arg11 : memref<80x128xf32, #tpu.memory_space<vmem>>)
      %run_scoped3A_68 = arith.constant 2 : i32
      "tpu.region"() ({
        %run_scoped3A_263 = tpu.sem_alloc : memref<!tpu.dma_semaphore, #tpu.memory_space<semaphore_mem>>
        %dma_start3A_264 = arith.constant 0 : i32
        %dma_start3A_265 = tpu.memref_slice %arg8[%run_scoped3A_68, %dma_start3A_264] : memref<8x80xi32, #tpu.memory_space<vmem>> -> memref<1x80xi32, #tpu.memory_space<vmem>>
        %dma_start3A_266 = tpu.memref_squeeze %dma_start3A_265 : memref<1x80xi32, #tpu.memory_space<vmem>> -> memref<80xi32, #tpu.memory_space<vmem>>
        %dma_start3A_267 = arith.constant 0 : i32
        %dma_start3A_268 = arith.constant 0 : i32
        %dma_start3A_269 = tpu.memref_slice %arg13[%dma_start3A_267, %dma_start3A_268] : memref<10240x128xf32, #tpu.memory_space<vmem_shared>> -> memref<10240x128xf32, #tpu.memory_space<vmem_shared>>
        tpu.enqueue_indirect_dma source(%arg11 : memref<80x128xf32, #tpu.memory_space<vmem>>) target(%dma_start3A_269 : memref<10240x128xf32, #tpu.memory_space<vmem_shared>>) offsets(%dma_start3A_266 : memref<80xi32, #tpu.memory_space<vmem>>) semaphore(%run_scoped3A_263 : memref<!tpu.dma_semaphore, #tpu.memory_space<semaphore_mem>>) {add = true}
        %dma_wait3A_270 = arith.constant 0 : i32
        %dma_wait3A_271 = tpu.memref_slice %arg8[%run_scoped3A_68, %dma_wait3A_270] : memref<8x80xi32, #tpu.memory_space<vmem>> -> memref<1x80xi32, #tpu.memory_space<vmem>>
        %dma_wait3A_272 = tpu.memref_squeeze %dma_wait3A_271 : memref<1x80xi32, #tpu.memory_space<vmem>> -> memref<80xi32, #tpu.memory_space<vmem>>
        %dma_wait3A_273 = arith.constant 0 : i32
        %dma_wait3A_274 = arith.constant 0 : i32
        %dma_wait3A_275 = tpu.memref_slice %arg13[%dma_wait3A_273, %dma_wait3A_274] : memref<10240x128xf32, #tpu.memory_space<vmem_shared>> -> memref<10240x128xf32, #tpu.memory_space<vmem_shared>>
        tpu.wait_indirect_dma semaphore(%run_scoped3A_263 : memref<!tpu.dma_semaphore, #tpu.memory_space<semaphore_mem>>) src(%arg11 : memref<80x128xf32, #tpu.memory_space<vmem>>) dst(%dma_wait3A_275 : memref<10240x128xf32, #tpu.memory_space<vmem_shared>>)
        tpu.yield
      }) : () -> ()
      %dma_start3A_69 = arith.constant 4 : i32
      %dma_start3A_70 = arith.constant 0 : i32
      %dma_start3A_71 = tpu.memref_slice %arg7[%dma_start3A_69, %dma_start3A_70] : memref<8x80xi32, #tpu.memory_space<vmem>> -> memref<1x80xi32, #tpu.memory_space<vmem>>
      %dma_start3A_72 = tpu.memref_squeeze %dma_start3A_71 : memref<1x80xi32, #tpu.memory_space<vmem>> -> memref<80xi32, #tpu.memory_space<vmem>>
      %dma_start3A_73 = arith.constant 0 : i32
      %dma_start3A_74 = arith.constant 0 : i32
      %dma_start3A_75 = tpu.memref_slice %arg2[%dma_start3A_73, %dma_start3A_74] : memref<10000x128xf32, #tpu.memory_space<hbm>> -> memref<10000x128xf32, #tpu.memory_space<hbm>>
      tpu.enqueue_indirect_dma source(%dma_start3A_75 : memref<10000x128xf32, #tpu.memory_space<hbm>>) target(%arg11 : memref<80x128xf32, #tpu.memory_space<vmem>>) offsets(%dma_start3A_72 : memref<80xi32, #tpu.memory_space<vmem>>) semaphore(%arg16 : memref<!tpu.dma_semaphore, #tpu.memory_space<semaphore_mem>>)
      %dma_wait3A_76 = arith.constant 3 : i32
      %dma_wait3A_77 = arith.constant 0 : i32
      %dma_wait3A_78 = tpu.memref_slice %arg7[%dma_wait3A_76, %dma_wait3A_77] : memref<8x80xi32, #tpu.memory_space<vmem>> -> memref<1x80xi32, #tpu.memory_space<vmem>>
      %dma_wait3A_79 = tpu.memref_squeeze %dma_wait3A_78 : memref<1x80xi32, #tpu.memory_space<vmem>> -> memref<80xi32, #tpu.memory_space<vmem>>
      %dma_wait3A_80 = arith.constant 0 : i32
      %dma_wait3A_81 = arith.constant 0 : i32
      %dma_wait3A_82 = tpu.memref_slice %arg2[%dma_wait3A_80, %dma_wait3A_81] : memref<10000x128xf32, #tpu.memory_space<hbm>> -> memref<10000x128xf32, #tpu.memory_space<hbm>>
      tpu.wait_indirect_dma semaphore(%arg17 : memref<!tpu.dma_semaphore, #tpu.memory_space<semaphore_mem>>) src(%dma_wait3A_82 : memref<10000x128xf32, #tpu.memory_space<hbm>>) dst(%arg12 : memref<80x128xf32, #tpu.memory_space<vmem>>)
      %run_scoped3A_83 = arith.constant 3 : i32
      "tpu.region"() ({
        %run_scoped3A_263 = tpu.sem_alloc : memref<!tpu.dma_semaphore, #tpu.memory_space<semaphore_mem>>
        %dma_start3A_264 = arith.constant 0 : i32
        %dma_start3A_265 = tpu.memref_slice %arg8[%run_scoped3A_83, %dma_start3A_264] : memref<8x80xi32, #tpu.memory_space<vmem>> -> memref<1x80xi32, #tpu.memory_space<vmem>>
        %dma_start3A_266 = tpu.memref_squeeze %dma_start3A_265 : memref<1x80xi32, #tpu.memory_space<vmem>> -> memref<80xi32, #tpu.memory_space<vmem>>
        %dma_start3A_267 = arith.constant 0 : i32
        %dma_start3A_268 = arith.constant 0 : i32
        %dma_start3A_269 = tpu.memref_slice %arg13[%dma_start3A_267, %dma_start3A_268] : memref<10240x128xf32, #tpu.memory_space<vmem_shared>> -> memref<10240x128xf32, #tpu.memory_space<vmem_shared>>
        tpu.enqueue_indirect_dma source(%arg12 : memref<80x128xf32, #tpu.memory_space<vmem>>) target(%dma_start3A_269 : memref<10240x128xf32, #tpu.memory_space<vmem_shared>>) offsets(%dma_start3A_266 : memref<80xi32, #tpu.memory_space<vmem>>) semaphore(%run_scoped3A_263 : memref<!tpu.dma_semaphore, #tpu.memory_space<semaphore_mem>>) {add = true}
        %dma_wait3A_270 = arith.constant 0 : i32
        %dma_wait3A_271 = tpu.memref_slice %arg8[%run_scoped3A_83, %dma_wait3A_270] : memref<8x80xi32, #tpu.memory_space<vmem>> -> memref<1x80xi32, #tpu.memory_space<vmem>>
        %dma_wait3A_272 = tpu.memref_squeeze %dma_wait3A_271 : memref<1x80xi32, #tpu.memory_space<vmem>> -> memref<80xi32, #tpu.memory_space<vmem>>
        %dma_wait3A_273 = arith.constant 0 : i32
        %dma_wait3A_274 = arith.constant 0 : i32
        %dma_wait3A_275 = tpu.memref_slice %arg13[%dma_wait3A_273, %dma_wait3A_274] : memref<10240x128xf32, #tpu.memory_space<vmem_shared>> -> memref<10240x128xf32, #tpu.memory_space<vmem_shared>>
        tpu.wait_indirect_dma semaphore(%run_scoped3A_263 : memref<!tpu.dma_semaphore, #tpu.memory_space<semaphore_mem>>) src(%arg12 : memref<80x128xf32, #tpu.memory_space<vmem>>) dst(%dma_wait3A_275 : memref<10240x128xf32, #tpu.memory_space<vmem_shared>>)
        tpu.yield
      }) : () -> ()
      %dma_start3A_84 = arith.constant 5 : i32
      %dma_start3A_85 = arith.constant 0 : i32
      %dma_start3A_86 = tpu.memref_slice %arg7[%dma_start3A_84, %dma_start3A_85] : memref<8x80xi32, #tpu.memory_space<vmem>> -> memref<1x80xi32, #tpu.memory_space<vmem>>
      %dma_start3A_87 = tpu.memref_squeeze %dma_start3A_86 : memref<1x80xi32, #tpu.memory_space<vmem>> -> memref<80xi32, #tpu.memory_space<vmem>>
      %dma_start3A_88 = arith.constant 0 : i32
      %dma_start3A_89 = arith.constant 0 : i32
      %dma_start3A_90 = tpu.memref_slice %arg2[%dma_start3A_88, %dma_start3A_89] : memref<10000x128xf32, #tpu.memory_space<hbm>> -> memref<10000x128xf32, #tpu.memory_space<hbm>>
      tpu.enqueue_indirect_dma source(%dma_start3A_90 : memref<10000x128xf32, #tpu.memory_space<hbm>>) target(%arg12 : memref<80x128xf32, #tpu.memory_space<vmem>>) offsets(%dma_start3A_87 : memref<80xi32, #tpu.memory_space<vmem>>) semaphore(%arg17 : memref<!tpu.dma_semaphore, #tpu.memory_space<semaphore_mem>>)
      %dma_wait3A_91 = arith.constant 4 : i32
      %dma_wait3A_92 = arith.constant 0 : i32
      %dma_wait3A_93 = tpu.memref_slice %arg7[%dma_wait3A_91, %dma_wait3A_92] : memref<8x80xi32, #tpu.memory_space<vmem>> -> memref<1x80xi32, #tpu.memory_space<vmem>>
      %dma_wait3A_94 = tpu.memref_squeeze %dma_wait3A_93 : memref<1x80xi32, #tpu.memory_space<vmem>> -> memref<80xi32, #tpu.memory_space<vmem>>
      %dma_wait3A_95 = arith.constant 0 : i32
      %dma_wait3A_96 = arith.constant 0 : i32
      %dma_wait3A_97 = tpu.memref_slice %arg2[%dma_wait3A_95, %dma_wait3A_96] : memref<10000x128xf32, #tpu.memory_space<hbm>> -> memref<10000x128xf32, #tpu.memory_space<hbm>>
      tpu.wait_indirect_dma semaphore(%arg16 : memref<!tpu.dma_semaphore, #tpu.memory_space<semaphore_mem>>) src(%dma_wait3A_97 : memref<10000x128xf32, #tpu.memory_space<hbm>>) dst(%arg11 : memref<80x128xf32, #tpu.memory_space<vmem>>)
      %run_scoped3A_98 = arith.constant 4 : i32
      "tpu.region"() ({
        %run_scoped3A_263 = tpu.sem_alloc : memref<!tpu.dma_semaphore, #tpu.memory_space<semaphore_mem>>
        %dma_start3A_264 = arith.constant 0 : i32
        %dma_start3A_265 = tpu.memref_slice %arg8[%run_scoped3A_98, %dma_start3A_264] : memref<8x80xi32, #tpu.memory_space<vmem>> -> memref<1x80xi32, #tpu.memory_space<vmem>>
        %dma_start3A_266 = tpu.memref_squeeze %dma_start3A_265 : memref<1x80xi32, #tpu.memory_space<vmem>> -> memref<80xi32, #tpu.memory_space<vmem>>
        %dma_start3A_267 = arith.constant 0 : i32
        %dma_start3A_268 = arith.constant 0 : i32
        %dma_start3A_269 = tpu.memref_slice %arg13[%dma_start3A_267, %dma_start3A_268] : memref<10240x128xf32, #tpu.memory_space<vmem_shared>> -> memref<10240x128xf32, #tpu.memory_space<vmem_shared>>
        tpu.enqueue_indirect_dma source(%arg11 : memref<80x128xf32, #tpu.memory_space<vmem>>) target(%dma_start3A_269 : memref<10240x128xf32, #tpu.memory_space<vmem_shared>>) offsets(%dma_start3A_266 : memref<80xi32, #tpu.memory_space<vmem>>) semaphore(%run_scoped3A_263 : memref<!tpu.dma_semaphore, #tpu.memory_space<semaphore_mem>>) {add = true}
        %dma_wait3A_270 = arith.constant 0 : i32
        %dma_wait3A_271 = tpu.memref_slice %arg8[%run_scoped3A_98, %dma_wait3A_270] : memref<8x80xi32, #tpu.memory_space<vmem>> -> memref<1x80xi32, #tpu.memory_space<vmem>>
        %dma_wait3A_272 = tpu.memref_squeeze %dma_wait3A_271 : memref<1x80xi32, #tpu.memory_space<vmem>> -> memref<80xi32, #tpu.memory_space<vmem>>
        %dma_wait3A_273 = arith.constant 0 : i32
        %dma_wait3A_274 = arith.constant 0 : i32
        %dma_wait3A_275 = tpu.memref_slice %arg13[%dma_wait3A_273, %dma_wait3A_274] : memref<10240x128xf32, #tpu.memory_space<vmem_shared>> -> memref<10240x128xf32, #tpu.memory_space<vmem_shared>>
        tpu.wait_indirect_dma semaphore(%run_scoped3A_263 : memref<!tpu.dma_semaphore, #tpu.memory_space<semaphore_mem>>) src(%arg11 : memref<80x128xf32, #tpu.memory_space<vmem>>) dst(%dma_wait3A_275 : memref<10240x128xf32, #tpu.memory_space<vmem_shared>>)
        tpu.yield
      }) : () -> ()
      %dma_start3A_99 = arith.constant 6 : i32
      %dma_start3A_100 = arith.constant 0 : i32
      %dma_start3A_101 = tpu.memref_slice %arg7[%dma_start3A_99, %dma_start3A_100] : memref<8x80xi32, #tpu.memory_space<vmem>> -> memref<1x80xi32, #tpu.memory_space<vmem>>
      %dma_start3A_102 = tpu.memref_squeeze %dma_start3A_101 : memref<1x80xi32, #tpu.memory_space<vmem>> -> memref<80xi32, #tpu.memory_space<vmem>>
      %dma_start3A_103 = arith.constant 0 : i32
      %dma_start3A_104 = arith.constant 0 : i32
      %dma_start3A_105 = tpu.memref_slice %arg2[%dma_start3A_103, %dma_start3A_104] : memref<10000x128xf32, #tpu.memory_space<hbm>> -> memref<10000x128xf32, #tpu.memory_space<hbm>>
      tpu.enqueue_indirect_dma source(%dma_start3A_105 : memref<10000x128xf32, #tpu.memory_space<hbm>>) target(%arg11 : memref<80x128xf32, #tpu.memory_space<vmem>>) offsets(%dma_start3A_102 : memref<80xi32, #tpu.memory_space<vmem>>) semaphore(%arg16 : memref<!tpu.dma_semaphore, #tpu.memory_space<semaphore_mem>>)
      %dma_wait3A_106 = arith.constant 5 : i32
      %dma_wait3A_107 = arith.constant 0 : i32
      %dma_wait3A_108 = tpu.memref_slice %arg7[%dma_wait3A_106, %dma_wait3A_107] : memref<8x80xi32, #tpu.memory_space<vmem>> -> memref<1x80xi32, #tpu.memory_space<vmem>>
      %dma_wait3A_109 = tpu.memref_squeeze %dma_wait3A_108 : memref<1x80xi32, #tpu.memory_space<vmem>> -> memref<80xi32, #tpu.memory_space<vmem>>
      %dma_wait3A_110 = arith.constant 0 : i32
      %dma_wait3A_111 = arith.constant 0 : i32
      %dma_wait3A_112 = tpu.memref_slice %arg2[%dma_wait3A_110, %dma_wait3A_111] : memref<10000x128xf32, #tpu.memory_space<hbm>> -> memref<10000x128xf32, #tpu.memory_space<hbm>>
      tpu.wait_indirect_dma semaphore(%arg17 : memref<!tpu.dma_semaphore, #tpu.memory_space<semaphore_mem>>) src(%dma_wait3A_112 : memref<10000x128xf32, #tpu.memory_space<hbm>>) dst(%arg12 : memref<80x128xf32, #tpu.memory_space<vmem>>)
      %run_scoped3A_113 = arith.constant 5 : i32
      "tpu.region"() ({
        %run_scoped3A_263 = tpu.sem_alloc : memref<!tpu.dma_semaphore, #tpu.memory_space<semaphore_mem>>
        %dma_start3A_264 = arith.constant 0 : i32
        %dma_start3A_265 = tpu.memref_slice %arg8[%run_scoped3A_113, %dma_start3A_264] : memref<8x80xi32, #tpu.memory_space<vmem>> -> memref<1x80xi32, #tpu.memory_space<vmem>>
        %dma_start3A_266 = tpu.memref_squeeze %dma_start3A_265 : memref<1x80xi32, #tpu.memory_space<vmem>> -> memref<80xi32, #tpu.memory_space<vmem>>
        %dma_start3A_267 = arith.constant 0 : i32
        %dma_start3A_268 = arith.constant 0 : i32
        %dma_start3A_269 = tpu.memref_slice %arg13[%dma_start3A_267, %dma_start3A_268] : memref<10240x128xf32, #tpu.memory_space<vmem_shared>> -> memref<10240x128xf32, #tpu.memory_space<vmem_shared>>
        tpu.enqueue_indirect_dma source(%arg12 : memref<80x128xf32, #tpu.memory_space<vmem>>) target(%dma_start3A_269 : memref<10240x128xf32, #tpu.memory_space<vmem_shared>>) offsets(%dma_start3A_266 : memref<80xi32, #tpu.memory_space<vmem>>) semaphore(%run_scoped3A_263 : memref<!tpu.dma_semaphore, #tpu.memory_space<semaphore_mem>>) {add = true}
        %dma_wait3A_270 = arith.constant 0 : i32
        %dma_wait3A_271 = tpu.memref_slice %arg8[%run_scoped3A_113, %dma_wait3A_270] : memref<8x80xi32, #tpu.memory_space<vmem>> -> memref<1x80xi32, #tpu.memory_space<vmem>>
        %dma_wait3A_272 = tpu.memref_squeeze %dma_wait3A_271 : memref<1x80xi32, #tpu.memory_space<vmem>> -> memref<80xi32, #tpu.memory_space<vmem>>
        %dma_wait3A_273 = arith.constant 0 : i32
        %dma_wait3A_274 = arith.constant 0 : i32
        %dma_wait3A_275 = tpu.memref_slice %arg13[%dma_wait3A_273, %dma_wait3A_274] : memref<10240x128xf32, #tpu.memory_space<vmem_shared>> -> memref<10240x128xf32, #tpu.memory_space<vmem_shared>>
        tpu.wait_indirect_dma semaphore(%run_scoped3A_263 : memref<!tpu.dma_semaphore, #tpu.memory_space<semaphore_mem>>) src(%arg12 : memref<80x128xf32, #tpu.memory_space<vmem>>) dst(%dma_wait3A_275 : memref<10240x128xf32, #tpu.memory_space<vmem_shared>>)
        tpu.yield
      }) : () -> ()
      %dma_start3A_114 = arith.constant 7 : i32
      %dma_start3A_115 = arith.constant 0 : i32
      %dma_start3A_116 = tpu.memref_slice %arg7[%dma_start3A_114, %dma_start3A_115] : memref<8x80xi32, #tpu.memory_space<vmem>> -> memref<1x80xi32, #tpu.memory_space<vmem>>
      %dma_start3A_117 = tpu.memref_squeeze %dma_start3A_116 : memref<1x80xi32, #tpu.memory_space<vmem>> -> memref<80xi32, #tpu.memory_space<vmem>>
      %dma_start3A_118 = arith.constant 0 : i32
      %dma_start3A_119 = arith.constant 0 : i32
      %dma_start3A_120 = tpu.memref_slice %arg2[%dma_start3A_118, %dma_start3A_119] : memref<10000x128xf32, #tpu.memory_space<hbm>> -> memref<10000x128xf32, #tpu.memory_space<hbm>>
      tpu.enqueue_indirect_dma source(%dma_start3A_120 : memref<10000x128xf32, #tpu.memory_space<hbm>>) target(%arg12 : memref<80x128xf32, #tpu.memory_space<vmem>>) offsets(%dma_start3A_117 : memref<80xi32, #tpu.memory_space<vmem>>) semaphore(%arg17 : memref<!tpu.dma_semaphore, #tpu.memory_space<semaphore_mem>>)
      %dma_wait3A_121 = arith.constant 6 : i32
      %dma_wait3A_122 = arith.constant 0 : i32
      %dma_wait3A_123 = tpu.memref_slice %arg7[%dma_wait3A_121, %dma_wait3A_122] : memref<8x80xi32, #tpu.memory_space<vmem>> -> memref<1x80xi32, #tpu.memory_space<vmem>>
      %dma_wait3A_124 = tpu.memref_squeeze %dma_wait3A_123 : memref<1x80xi32, #tpu.memory_space<vmem>> -> memref<80xi32, #tpu.memory_space<vmem>>
      %dma_wait3A_125 = arith.constant 0 : i32
      %dma_wait3A_126 = arith.constant 0 : i32
      %dma_wait3A_127 = tpu.memref_slice %arg2[%dma_wait3A_125, %dma_wait3A_126] : memref<10000x128xf32, #tpu.memory_space<hbm>> -> memref<10000x128xf32, #tpu.memory_space<hbm>>
      tpu.wait_indirect_dma semaphore(%arg16 : memref<!tpu.dma_semaphore, #tpu.memory_space<semaphore_mem>>) src(%dma_wait3A_127 : memref<10000x128xf32, #tpu.memory_space<hbm>>) dst(%arg11 : memref<80x128xf32, #tpu.memory_space<vmem>>)
      %run_scoped3A_128 = arith.constant 6 : i32
      "tpu.region"() ({
        %run_scoped3A_263 = tpu.sem_alloc : memref<!tpu.dma_semaphore, #tpu.memory_space<semaphore_mem>>
        %dma_start3A_264 = arith.constant 0 : i32
        %dma_start3A_265 = tpu.memref_slice %arg8[%run_scoped3A_128, %dma_start3A_264] : memref<8x80xi32, #tpu.memory_space<vmem>> -> memref<1x80xi32, #tpu.memory_space<vmem>>
        %dma_start3A_266 = tpu.memref_squeeze %dma_start3A_265 : memref<1x80xi32, #tpu.memory_space<vmem>> -> memref<80xi32, #tpu.memory_space<vmem>>
        %dma_start3A_267 = arith.constant 0 : i32
        %dma_start3A_268 = arith.constant 0 : i32
        %dma_start3A_269 = tpu.memref_slice %arg13[%dma_start3A_267, %dma_start3A_268] : memref<10240x128xf32, #tpu.memory_space<vmem_shared>> -> memref<10240x128xf32, #tpu.memory_space<vmem_shared>>
        tpu.enqueue_indirect_dma source(%arg11 : memref<80x128xf32, #tpu.memory_space<vmem>>) target(%dma_start3A_269 : memref<10240x128xf32, #tpu.memory_space<vmem_shared>>) offsets(%dma_start3A_266 : memref<80xi32, #tpu.memory_space<vmem>>) semaphore(%run_scoped3A_263 : memref<!tpu.dma_semaphore, #tpu.memory_space<semaphore_mem>>) {add = true}
        %dma_wait3A_270 = arith.constant 0 : i32
        %dma_wait3A_271 = tpu.memref_slice %arg8[%run_scoped3A_128, %dma_wait3A_270] : memref<8x80xi32, #tpu.memory_space<vmem>> -> memref<1x80xi32, #tpu.memory_space<vmem>>
        %dma_wait3A_272 = tpu.memref_squeeze %dma_wait3A_271 : memref<1x80xi32, #tpu.memory_space<vmem>> -> memref<80xi32, #tpu.memory_space<vmem>>
        %dma_wait3A_273 = arith.constant 0 : i32
        %dma_wait3A_274 = arith.constant 0 : i32
        %dma_wait3A_275 = tpu.memref_slice %arg13[%dma_wait3A_273, %dma_wait3A_274] : memref<10240x128xf32, #tpu.memory_space<vmem_shared>> -> memref<10240x128xf32, #tpu.memory_space<vmem_shared>>
        tpu.wait_indirect_dma semaphore(%run_scoped3A_263 : memref<!tpu.dma_semaphore, #tpu.memory_space<semaphore_mem>>) src(%arg11 : memref<80x128xf32, #tpu.memory_space<vmem>>) dst(%dma_wait3A_275 : memref<10240x128xf32, #tpu.memory_space<vmem_shared>>)
        tpu.yield
      }) : () -> ()
      %dma_wait3A_129 = arith.constant 7 : i32
      %dma_wait3A_130 = arith.constant 0 : i32
      %dma_wait3A_131 = tpu.memref_slice %arg7[%dma_wait3A_129, %dma_wait3A_130] : memref<8x80xi32, #tpu.memory_space<vmem>> -> memref<1x80xi32, #tpu.memory_space<vmem>>
      %dma_wait3A_132 = tpu.memref_squeeze %dma_wait3A_131 : memref<1x80xi32, #tpu.memory_space<vmem>> -> memref<80xi32, #tpu.memory_space<vmem>>
      %dma_wait3A_133 = arith.constant 0 : i32
      %dma_wait3A_134 = arith.constant 0 : i32
      %dma_wait3A_135 = tpu.memref_slice %arg2[%dma_wait3A_133, %dma_wait3A_134] : memref<10000x128xf32, #tpu.memory_space<hbm>> -> memref<10000x128xf32, #tpu.memory_space<hbm>>
      tpu.wait_indirect_dma semaphore(%arg17 : memref<!tpu.dma_semaphore, #tpu.memory_space<semaphore_mem>>) src(%dma_wait3A_135 : memref<10000x128xf32, #tpu.memory_space<hbm>>) dst(%arg12 : memref<80x128xf32, #tpu.memory_space<vmem>>)
      %run_scoped3A_136 = arith.constant 7 : i32
      "tpu.region"() ({
        %run_scoped3A_263 = tpu.sem_alloc : memref<!tpu.dma_semaphore, #tpu.memory_space<semaphore_mem>>
        %dma_start3A_264 = arith.constant 0 : i32
        %dma_start3A_265 = tpu.memref_slice %arg8[%run_scoped3A_136, %dma_start3A_264] : memref<8x80xi32, #tpu.memory_space<vmem>> -> memref<1x80xi32, #tpu.memory_space<vmem>>
        %dma_start3A_266 = tpu.memref_squeeze %dma_start3A_265 : memref<1x80xi32, #tpu.memory_space<vmem>> -> memref<80xi32, #tpu.memory_space<vmem>>
        %dma_start3A_267 = arith.constant 0 : i32
        %dma_start3A_268 = arith.constant 0 : i32
        %dma_start3A_269 = tpu.memref_slice %arg13[%dma_start3A_267, %dma_start3A_268] : memref<10240x128xf32, #tpu.memory_space<vmem_shared>> -> memref<10240x128xf32, #tpu.memory_space<vmem_shared>>
        tpu.enqueue_indirect_dma source(%arg12 : memref<80x128xf32, #tpu.memory_space<vmem>>) target(%dma_start3A_269 : memref<10240x128xf32, #tpu.memory_space<vmem_shared>>) offsets(%dma_start3A_266 : memref<80xi32, #tpu.memory_space<vmem>>) semaphore(%run_scoped3A_263 : memref<!tpu.dma_semaphore, #tpu.memory_space<semaphore_mem>>) {add = true}
        %dma_wait3A_270 = arith.constant 0 : i32
        %dma_wait3A_271 = tpu.memref_slice %arg8[%run_scoped3A_136, %dma_wait3A_270] : memref<8x80xi32, #tpu.memory_space<vmem>> -> memref<1x80xi32, #tpu.memory_space<vmem>>
        %dma_wait3A_272 = tpu.memref_squeeze %dma_wait3A_271 : memref<1x80xi32, #tpu.memory_space<vmem>> -> memref<80xi32, #tpu.memory_space<vmem>>
        %dma_wait3A_273 = arith.constant 0 : i32
        %dma_wait3A_274 = arith.constant 0 : i32
        %dma_wait3A_275 = tpu.memref_slice %arg13[%dma_wait3A_273, %dma_wait3A_274] : memref<10240x128xf32, #tpu.memory_space<vmem_shared>> -> memref<10240x128xf32, #tpu.memory_space<vmem_shared>>
        tpu.wait_indirect_dma semaphore(%run_scoped3A_263 : memref<!tpu.dma_semaphore, #tpu.memory_space<semaphore_mem>>) src(%arg12 : memref<80x128xf32, #tpu.memory_space<vmem>>) dst(%dma_wait3A_275 : memref<10240x128xf32, #tpu.memory_space<vmem_shared>>)
        tpu.yield
      }) : () -> ()
      %add3A_137 = arith.constant 1 : i32
      %add3A_138 = arith.addi %mul3A_17, %add3A_137 : i32
      %mul3A_139 = arith.constant 8 : i32
      %mul3A_140 = arith.muli %add3A_138, %mul3A_139 : i32
      %multiple_of3A_141 = tpu.assume_multiple %mul3A_140, 8 : i32
      "tpu.region"() ({
        %run_scoped3A_263 = tpu.sem_alloc : memref<!tpu.dma_semaphore, #tpu.memory_space<semaphore_mem>>
        %dma_start3A_264 = arith.constant 0 : i32
        %dma_start3A_265 = tpu.memref_slice %arg3[%add3A, %multiple_of3A_141, %dma_start3A_264] : memref<32x144x80xi32, #tpu.memory_space<hbm>> -> memref<1x8x80xi32, #tpu.memory_space<hbm>>
        %dma_start3A_266 = tpu.memref_squeeze %dma_start3A_265 : memref<1x8x80xi32, #tpu.memory_space<hbm>> -> memref<8x80xi32, #tpu.memory_space<hbm>>
        %dma_start3A_267 = arith.constant 0 : i32
        %dma_start3A_268 = tpu.memref_slice %arg3[%add3A, %multiple_of3A_141, %dma_start3A_267] : memref<32x144x80xi32, #tpu.memory_space<hbm>> -> memref<1x8x80xi32, #tpu.memory_space<hbm>>
        %dma_start3A_269 = tpu.memref_squeeze %dma_start3A_268 : memref<1x8x80xi32, #tpu.memory_space<hbm>> -> memref<8x80xi32, #tpu.memory_space<hbm>>
        tpu.enqueue_dma source(%dma_start3A_269 : memref<8x80xi32, #tpu.memory_space<hbm>>) target(%arg9 : memref<8x80xi32, #tpu.memory_space<vmem>>) target_semaphore(%run_scoped3A_263 : memref<!tpu.dma_semaphore, #tpu.memory_space<semaphore_mem>>)
        %dma_wait3A_270 = arith.constant 0 : i32
        %dma_wait3A_271 = tpu.memref_slice %arg3[%add3A, %multiple_of3A_141, %dma_wait3A_270] : memref<32x144x80xi32, #tpu.memory_space<hbm>> -> memref<1x8x80xi32, #tpu.memory_space<hbm>>
        %dma_wait3A_272 = tpu.memref_squeeze %dma_wait3A_271 : memref<1x8x80xi32, #tpu.memory_space<hbm>> -> memref<8x80xi32, #tpu.memory_space<hbm>>
        %dma_wait3A_273 = arith.constant 0 : i32
        %dma_wait3A_274 = tpu.memref_slice %arg3[%add3A, %multiple_of3A_141, %dma_wait3A_273] : memref<32x144x80xi32, #tpu.memory_space<hbm>> -> memref<1x8x80xi32, #tpu.memory_space<hbm>>
        %dma_wait3A_275 = tpu.memref_squeeze %dma_wait3A_274 : memref<1x8x80xi32, #tpu.memory_space<hbm>> -> memref<8x80xi32, #tpu.memory_space<hbm>>
        tpu.wait_dma2 semaphore(%run_scoped3A_263 : memref<!tpu.dma_semaphore, #tpu.memory_space<semaphore_mem>>) src(%dma_wait3A_275 : memref<8x80xi32, #tpu.memory_space<hbm>>) dst(%arg9 : memref<8x80xi32, #tpu.memory_space<vmem>>)
        tpu.yield
      }) : () -> ()
      "tpu.region"() ({
        %run_scoped3A_263 = tpu.sem_alloc : memref<!tpu.dma_semaphore, #tpu.memory_space<semaphore_mem>>
        %dma_start3A_264 = arith.constant 0 : i32
        %dma_start3A_265 = tpu.memref_slice %arg4[%add3A, %multiple_of3A_141, %dma_start3A_264] : memref<32x144x80xi32, #tpu.memory_space<hbm>> -> memref<1x8x80xi32, #tpu.memory_space<hbm>>
        %dma_start3A_266 = tpu.memref_squeeze %dma_start3A_265 : memref<1x8x80xi32, #tpu.memory_space<hbm>> -> memref<8x80xi32, #tpu.memory_space<hbm>>
        %dma_start3A_267 = arith.constant 0 : i32
        %dma_start3A_268 = tpu.memref_slice %arg4[%add3A, %multiple_of3A_141, %dma_start3A_267] : memref<32x144x80xi32, #tpu.memory_space<hbm>> -> memref<1x8x80xi32, #tpu.memory_space<hbm>>
        %dma_start3A_269 = tpu.memref_squeeze %dma_start3A_268 : memref<1x8x80xi32, #tpu.memory_space<hbm>> -> memref<8x80xi32, #tpu.memory_space<hbm>>
        tpu.enqueue_dma source(%dma_start3A_269 : memref<8x80xi32, #tpu.memory_space<hbm>>) target(%arg10 : memref<8x80xi32, #tpu.memory_space<vmem>>) target_semaphore(%run_scoped3A_263 : memref<!tpu.dma_semaphore, #tpu.memory_space<semaphore_mem>>)
        %dma_wait3A_270 = arith.constant 0 : i32
        %dma_wait3A_271 = tpu.memref_slice %arg4[%add3A, %multiple_of3A_141, %dma_wait3A_270] : memref<32x144x80xi32, #tpu.memory_space<hbm>> -> memref<1x8x80xi32, #tpu.memory_space<hbm>>
        %dma_wait3A_272 = tpu.memref_squeeze %dma_wait3A_271 : memref<1x8x80xi32, #tpu.memory_space<hbm>> -> memref<8x80xi32, #tpu.memory_space<hbm>>
        %dma_wait3A_273 = arith.constant 0 : i32
        %dma_wait3A_274 = tpu.memref_slice %arg4[%add3A, %multiple_of3A_141, %dma_wait3A_273] : memref<32x144x80xi32, #tpu.memory_space<hbm>> -> memref<1x8x80xi32, #tpu.memory_space<hbm>>
        %dma_wait3A_275 = tpu.memref_squeeze %dma_wait3A_274 : memref<1x8x80xi32, #tpu.memory_space<hbm>> -> memref<8x80xi32, #tpu.memory_space<hbm>>
        tpu.wait_dma2 semaphore(%run_scoped3A_263 : memref<!tpu.dma_semaphore, #tpu.memory_space<semaphore_mem>>) src(%dma_wait3A_275 : memref<8x80xi32, #tpu.memory_space<hbm>>) dst(%arg10 : memref<8x80xi32, #tpu.memory_space<vmem>>)
        tpu.yield
      }) : () -> ()
      %dma_start3A_142 = arith.constant 0 : i32
      %dma_start3A_143 = arith.constant 0 : i32
      %dma_start3A_144 = tpu.memref_slice %arg9[%dma_start3A_142, %dma_start3A_143] : memref<8x80xi32, #tpu.memory_space<vmem>> -> memref<1x80xi32, #tpu.memory_space<vmem>>
      %dma_start3A_145 = tpu.memref_squeeze %dma_start3A_144 : memref<1x80xi32, #tpu.memory_space<vmem>> -> memref<80xi32, #tpu.memory_space<vmem>>
      %dma_start3A_146 = arith.constant 0 : i32
      %dma_start3A_147 = arith.constant 0 : i32
      %dma_start3A_148 = tpu.memref_slice %arg2[%dma_start3A_146, %dma_start3A_147] : memref<10000x128xf32, #tpu.memory_space<hbm>> -> memref<10000x128xf32, #tpu.memory_space<hbm>>
      tpu.enqueue_indirect_dma source(%dma_start3A_148 : memref<10000x128xf32, #tpu.memory_space<hbm>>) target(%arg11 : memref<80x128xf32, #tpu.memory_space<vmem>>) offsets(%dma_start3A_145 : memref<80xi32, #tpu.memory_space<vmem>>) semaphore(%arg16 : memref<!tpu.dma_semaphore, #tpu.memory_space<semaphore_mem>>)
      %dma_start3A_149 = arith.constant 1 : i32
      %dma_start3A_150 = arith.constant 0 : i32
      %dma_start3A_151 = tpu.memref_slice %arg9[%dma_start3A_149, %dma_start3A_150] : memref<8x80xi32, #tpu.memory_space<vmem>> -> memref<1x80xi32, #tpu.memory_space<vmem>>
      %dma_start3A_152 = tpu.memref_squeeze %dma_start3A_151 : memref<1x80xi32, #tpu.memory_space<vmem>> -> memref<80xi32, #tpu.memory_space<vmem>>
      %dma_start3A_153 = arith.constant 0 : i32
      %dma_start3A_154 = arith.constant 0 : i32
      %dma_start3A_155 = tpu.memref_slice %arg2[%dma_start3A_153, %dma_start3A_154] : memref<10000x128xf32, #tpu.memory_space<hbm>> -> memref<10000x128xf32, #tpu.memory_space<hbm>>
      tpu.enqueue_indirect_dma source(%dma_start3A_155 : memref<10000x128xf32, #tpu.memory_space<hbm>>) target(%arg12 : memref<80x128xf32, #tpu.memory_space<vmem>>) offsets(%dma_start3A_152 : memref<80xi32, #tpu.memory_space<vmem>>) semaphore(%arg17 : memref<!tpu.dma_semaphore, #tpu.memory_space<semaphore_mem>>)
      %dma_wait3A_156 = arith.constant 0 : i32
      %dma_wait3A_157 = arith.constant 0 : i32
      %dma_wait3A_158 = tpu.memref_slice %arg9[%dma_wait3A_156, %dma_wait3A_157] : memref<8x80xi32, #tpu.memory_space<vmem>> -> memref<1x80xi32, #tpu.memory_space<vmem>>
      %dma_wait3A_159 = tpu.memref_squeeze %dma_wait3A_158 : memref<1x80xi32, #tpu.memory_space<vmem>> -> memref<80xi32, #tpu.memory_space<vmem>>
      %dma_wait3A_160 = arith.constant 0 : i32
      %dma_wait3A_161 = arith.constant 0 : i32
      %dma_wait3A_162 = tpu.memref_slice %arg2[%dma_wait3A_160, %dma_wait3A_161] : memref<10000x128xf32, #tpu.memory_space<hbm>> -> memref<10000x128xf32, #tpu.memory_space<hbm>>
      tpu.wait_indirect_dma semaphore(%arg16 : memref<!tpu.dma_semaphore, #tpu.memory_space<semaphore_mem>>) src(%dma_wait3A_162 : memref<10000x128xf32, #tpu.memory_space<hbm>>) dst(%arg11 : memref<80x128xf32, #tpu.memory_space<vmem>>)
      %run_scoped3A_163 = arith.constant 0 : i32
      "tpu.region"() ({
        %run_scoped3A_263 = tpu.sem_alloc : memref<!tpu.dma_semaphore, #tpu.memory_space<semaphore_mem>>
        %dma_start3A_264 = arith.constant 0 : i32
        %dma_start3A_265 = tpu.memref_slice %arg10[%run_scoped3A_163, %dma_start3A_264] : memref<8x80xi32, #tpu.memory_space<vmem>> -> memref<1x80xi32, #tpu.memory_space<vmem>>
        %dma_start3A_266 = tpu.memref_squeeze %dma_start3A_265 : memref<1x80xi32, #tpu.memory_space<vmem>> -> memref<80xi32, #tpu.memory_space<vmem>>
        %dma_start3A_267 = arith.constant 0 : i32
        %dma_start3A_268 = arith.constant 0 : i32
        %dma_start3A_269 = tpu.memref_slice %arg13[%dma_start3A_267, %dma_start3A_268] : memref<10240x128xf32, #tpu.memory_space<vmem_shared>> -> memref<10240x128xf32, #tpu.memory_space<vmem_shared>>
        tpu.enqueue_indirect_dma source(%arg11 : memref<80x128xf32, #tpu.memory_space<vmem>>) target(%dma_start3A_269 : memref<10240x128xf32, #tpu.memory_space<vmem_shared>>) offsets(%dma_start3A_266 : memref<80xi32, #tpu.memory_space<vmem>>) semaphore(%run_scoped3A_263 : memref<!tpu.dma_semaphore, #tpu.memory_space<semaphore_mem>>) {add = true}
        %dma_wait3A_270 = arith.constant 0 : i32
        %dma_wait3A_271 = tpu.memref_slice %arg10[%run_scoped3A_163, %dma_wait3A_270] : memref<8x80xi32, #tpu.memory_space<vmem>> -> memref<1x80xi32, #tpu.memory_space<vmem>>
        %dma_wait3A_272 = tpu.memref_squeeze %dma_wait3A_271 : memref<1x80xi32, #tpu.memory_space<vmem>> -> memref<80xi32, #tpu.memory_space<vmem>>
        %dma_wait3A_273 = arith.constant 0 : i32
        %dma_wait3A_274 = arith.constant 0 : i32
        %dma_wait3A_275 = tpu.memref_slice %arg13[%dma_wait3A_273, %dma_wait3A_274] : memref<10240x128xf32, #tpu.memory_space<vmem_shared>> -> memref<10240x128xf32, #tpu.memory_space<vmem_shared>>
        tpu.wait_indirect_dma semaphore(%run_scoped3A_263 : memref<!tpu.dma_semaphore, #tpu.memory_space<semaphore_mem>>) src(%arg11 : memref<80x128xf32, #tpu.memory_space<vmem>>) dst(%dma_wait3A_275 : memref<10240x128xf32, #tpu.memory_space<vmem_shared>>)
        tpu.yield
      }) : () -> ()
      %dma_start3A_164 = arith.constant 2 : i32
      %dma_start3A_165 = arith.constant 0 : i32
      %dma_start3A_166 = tpu.memref_slice %arg9[%dma_start3A_164, %dma_start3A_165] : memref<8x80xi32, #tpu.memory_space<vmem>> -> memref<1x80xi32, #tpu.memory_space<vmem>>
      %dma_start3A_167 = tpu.memref_squeeze %dma_start3A_166 : memref<1x80xi32, #tpu.memory_space<vmem>> -> memref<80xi32, #tpu.memory_space<vmem>>
      %dma_start3A_168 = arith.constant 0 : i32
      %dma_start3A_169 = arith.constant 0 : i32
      %dma_start3A_170 = tpu.memref_slice %arg2[%dma_start3A_168, %dma_start3A_169] : memref<10000x128xf32, #tpu.memory_space<hbm>> -> memref<10000x128xf32, #tpu.memory_space<hbm>>
      tpu.enqueue_indirect_dma source(%dma_start3A_170 : memref<10000x128xf32, #tpu.memory_space<hbm>>) target(%arg11 : memref<80x128xf32, #tpu.memory_space<vmem>>) offsets(%dma_start3A_167 : memref<80xi32, #tpu.memory_space<vmem>>) semaphore(%arg16 : memref<!tpu.dma_semaphore, #tpu.memory_space<semaphore_mem>>)
      %dma_wait3A_171 = arith.constant 1 : i32
      %dma_wait3A_172 = arith.constant 0 : i32
      %dma_wait3A_173 = tpu.memref_slice %arg9[%dma_wait3A_171, %dma_wait3A_172] : memref<8x80xi32, #tpu.memory_space<vmem>> -> memref<1x80xi32, #tpu.memory_space<vmem>>
      %dma_wait3A_174 = tpu.memref_squeeze %dma_wait3A_173 : memref<1x80xi32, #tpu.memory_space<vmem>> -> memref<80xi32, #tpu.memory_space<vmem>>
      %dma_wait3A_175 = arith.constant 0 : i32
      %dma_wait3A_176 = arith.constant 0 : i32
      %dma_wait3A_177 = tpu.memref_slice %arg2[%dma_wait3A_175, %dma_wait3A_176] : memref<10000x128xf32, #tpu.memory_space<hbm>> -> memref<10000x128xf32, #tpu.memory_space<hbm>>
      tpu.wait_indirect_dma semaphore(%arg17 : memref<!tpu.dma_semaphore, #tpu.memory_space<semaphore_mem>>) src(%dma_wait3A_177 : memref<10000x128xf32, #tpu.memory_space<hbm>>) dst(%arg12 : memref<80x128xf32, #tpu.memory_space<vmem>>)
      %run_scoped3A_178 = arith.constant 1 : i32
      "tpu.region"() ({
        %run_scoped3A_263 = tpu.sem_alloc : memref<!tpu.dma_semaphore, #tpu.memory_space<semaphore_mem>>
        %dma_start3A_264 = arith.constant 0 : i32
        %dma_start3A_265 = tpu.memref_slice %arg10[%run_scoped3A_178, %dma_start3A_264] : memref<8x80xi32, #tpu.memory_space<vmem>> -> memref<1x80xi32, #tpu.memory_space<vmem>>
        %dma_start3A_266 = tpu.memref_squeeze %dma_start3A_265 : memref<1x80xi32, #tpu.memory_space<vmem>> -> memref<80xi32, #tpu.memory_space<vmem>>
        %dma_start3A_267 = arith.constant 0 : i32
        %dma_start3A_268 = arith.constant 0 : i32
        %dma_start3A_269 = tpu.memref_slice %arg13[%dma_start3A_267, %dma_start3A_268] : memref<10240x128xf32, #tpu.memory_space<vmem_shared>> -> memref<10240x128xf32, #tpu.memory_space<vmem_shared>>
        tpu.enqueue_indirect_dma source(%arg12 : memref<80x128xf32, #tpu.memory_space<vmem>>) target(%dma_start3A_269 : memref<10240x128xf32, #tpu.memory_space<vmem_shared>>) offsets(%dma_start3A_266 : memref<80xi32, #tpu.memory_space<vmem>>) semaphore(%run_scoped3A_263 : memref<!tpu.dma_semaphore, #tpu.memory_space<semaphore_mem>>) {add = true}
        %dma_wait3A_270 = arith.constant 0 : i32
        %dma_wait3A_271 = tpu.memref_slice %arg10[%run_scoped3A_178, %dma_wait3A_270] : memref<8x80xi32, #tpu.memory_space<vmem>> -> memref<1x80xi32, #tpu.memory_space<vmem>>
        %dma_wait3A_272 = tpu.memref_squeeze %dma_wait3A_271 : memref<1x80xi32, #tpu.memory_space<vmem>> -> memref<80xi32, #tpu.memory_space<vmem>>
        %dma_wait3A_273 = arith.constant 0 : i32
        %dma_wait3A_274 = arith.constant 0 : i32
        %dma_wait3A_275 = tpu.memref_slice %arg13[%dma_wait3A_273, %dma_wait3A_274] : memref<10240x128xf32, #tpu.memory_space<vmem_shared>> -> memref<10240x128xf32, #tpu.memory_space<vmem_shared>>
        tpu.wait_indirect_dma semaphore(%run_scoped3A_263 : memref<!tpu.dma_semaphore, #tpu.memory_space<semaphore_mem>>) src(%arg12 : memref<80x128xf32, #tpu.memory_space<vmem>>) dst(%dma_wait3A_275 : memref<10240x128xf32, #tpu.memory_space<vmem_shared>>)
        tpu.yield
      }) : () -> ()
      %dma_start3A_179 = arith.constant 3 : i32
      %dma_start3A_180 = arith.constant 0 : i32
      %dma_start3A_181 = tpu.memref_slice %arg9[%dma_start3A_179, %dma_start3A_180] : memref<8x80xi32, #tpu.memory_space<vmem>> -> memref<1x80xi32, #tpu.memory_space<vmem>>
      %dma_start3A_182 = tpu.memref_squeeze %dma_start3A_181 : memref<1x80xi32, #tpu.memory_space<vmem>> -> memref<80xi32, #tpu.memory_space<vmem>>
      %dma_start3A_183 = arith.constant 0 : i32
      %dma_start3A_184 = arith.constant 0 : i32
      %dma_start3A_185 = tpu.memref_slice %arg2[%dma_start3A_183, %dma_start3A_184] : memref<10000x128xf32, #tpu.memory_space<hbm>> -> memref<10000x128xf32, #tpu.memory_space<hbm>>
      tpu.enqueue_indirect_dma source(%dma_start3A_185 : memref<10000x128xf32, #tpu.memory_space<hbm>>) target(%arg12 : memref<80x128xf32, #tpu.memory_space<vmem>>) offsets(%dma_start3A_182 : memref<80xi32, #tpu.memory_space<vmem>>) semaphore(%arg17 : memref<!tpu.dma_semaphore, #tpu.memory_space<semaphore_mem>>)
      %dma_wait3A_186 = arith.constant 2 : i32
      %dma_wait3A_187 = arith.constant 0 : i32
      %dma_wait3A_188 = tpu.memref_slice %arg9[%dma_wait3A_186, %dma_wait3A_187] : memref<8x80xi32, #tpu.memory_space<vmem>> -> memref<1x80xi32, #tpu.memory_space<vmem>>
      %dma_wait3A_189 = tpu.memref_squeeze %dma_wait3A_188 : memref<1x80xi32, #tpu.memory_space<vmem>> -> memref<80xi32, #tpu.memory_space<vmem>>
      %dma_wait3A_190 = arith.constant 0 : i32
      %dma_wait3A_191 = arith.constant 0 : i32
      %dma_wait3A_192 = tpu.memref_slice %arg2[%dma_wait3A_190, %dma_wait3A_191] : memref<10000x128xf32, #tpu.memory_space<hbm>> -> memref<10000x128xf32, #tpu.memory_space<hbm>>
      tpu.wait_indirect_dma semaphore(%arg16 : memref<!tpu.dma_semaphore, #tpu.memory_space<semaphore_mem>>) src(%dma_wait3A_192 : memref<10000x128xf32, #tpu.memory_space<hbm>>) dst(%arg11 : memref<80x128xf32, #tpu.memory_space<vmem>>)
      %run_scoped3A_193 = arith.constant 2 : i32
      "tpu.region"() ({
        %run_scoped3A_263 = tpu.sem_alloc : memref<!tpu.dma_semaphore, #tpu.memory_space<semaphore_mem>>
        %dma_start3A_264 = arith.constant 0 : i32
        %dma_start3A_265 = tpu.memref_slice %arg10[%run_scoped3A_193, %dma_start3A_264] : memref<8x80xi32, #tpu.memory_space<vmem>> -> memref<1x80xi32, #tpu.memory_space<vmem>>
        %dma_start3A_266 = tpu.memref_squeeze %dma_start3A_265 : memref<1x80xi32, #tpu.memory_space<vmem>> -> memref<80xi32, #tpu.memory_space<vmem>>
        %dma_start3A_267 = arith.constant 0 : i32
        %dma_start3A_268 = arith.constant 0 : i32
        %dma_start3A_269 = tpu.memref_slice %arg13[%dma_start3A_267, %dma_start3A_268] : memref<10240x128xf32, #tpu.memory_space<vmem_shared>> -> memref<10240x128xf32, #tpu.memory_space<vmem_shared>>
        tpu.enqueue_indirect_dma source(%arg11 : memref<80x128xf32, #tpu.memory_space<vmem>>) target(%dma_start3A_269 : memref<10240x128xf32, #tpu.memory_space<vmem_shared>>) offsets(%dma_start3A_266 : memref<80xi32, #tpu.memory_space<vmem>>) semaphore(%run_scoped3A_263 : memref<!tpu.dma_semaphore, #tpu.memory_space<semaphore_mem>>) {add = true}
        %dma_wait3A_270 = arith.constant 0 : i32
        %dma_wait3A_271 = tpu.memref_slice %arg10[%run_scoped3A_193, %dma_wait3A_270] : memref<8x80xi32, #tpu.memory_space<vmem>> -> memref<1x80xi32, #tpu.memory_space<vmem>>
        %dma_wait3A_272 = tpu.memref_squeeze %dma_wait3A_271 : memref<1x80xi32, #tpu.memory_space<vmem>> -> memref<80xi32, #tpu.memory_space<vmem>>
        %dma_wait3A_273 = arith.constant 0 : i32
        %dma_wait3A_274 = arith.constant 0 : i32
        %dma_wait3A_275 = tpu.memref_slice %arg13[%dma_wait3A_273, %dma_wait3A_274] : memref<10240x128xf32, #tpu.memory_space<vmem_shared>> -> memref<10240x128xf32, #tpu.memory_space<vmem_shared>>
        tpu.wait_indirect_dma semaphore(%run_scoped3A_263 : memref<!tpu.dma_semaphore, #tpu.memory_space<semaphore_mem>>) src(%arg11 : memref<80x128xf32, #tpu.memory_space<vmem>>) dst(%dma_wait3A_275 : memref<10240x128xf32, #tpu.memory_space<vmem_shared>>)
        tpu.yield
      }) : () -> ()
      %dma_start3A_194 = arith.constant 4 : i32
      %dma_start3A_195 = arith.constant 0 : i32
      %dma_start3A_196 = tpu.memref_slice %arg9[%dma_start3A_194, %dma_start3A_195] : memref<8x80xi32, #tpu.memory_space<vmem>> -> memref<1x80xi32, #tpu.memory_space<vmem>>
      %dma_start3A_197 = tpu.memref_squeeze %dma_start3A_196 : memref<1x80xi32, #tpu.memory_space<vmem>> -> memref<80xi32, #tpu.memory_space<vmem>>
      %dma_start3A_198 = arith.constant 0 : i32
      %dma_start3A_199 = arith.constant 0 : i32
      %dma_start3A_200 = tpu.memref_slice %arg2[%dma_start3A_198, %dma_start3A_199] : memref<10000x128xf32, #tpu.memory_space<hbm>> -> memref<10000x128xf32, #tpu.memory_space<hbm>>
      tpu.enqueue_indirect_dma source(%dma_start3A_200 : memref<10000x128xf32, #tpu.memory_space<hbm>>) target(%arg11 : memref<80x128xf32, #tpu.memory_space<vmem>>) offsets(%dma_start3A_197 : memref<80xi32, #tpu.memory_space<vmem>>) semaphore(%arg16 : memref<!tpu.dma_semaphore, #tpu.memory_space<semaphore_mem>>)
      %dma_wait3A_201 = arith.constant 3 : i32
      %dma_wait3A_202 = arith.constant 0 : i32
      %dma_wait3A_203 = tpu.memref_slice %arg9[%dma_wait3A_201, %dma_wait3A_202] : memref<8x80xi32, #tpu.memory_space<vmem>> -> memref<1x80xi32, #tpu.memory_space<vmem>>
      %dma_wait3A_204 = tpu.memref_squeeze %dma_wait3A_203 : memref<1x80xi32, #tpu.memory_space<vmem>> -> memref<80xi32, #tpu.memory_space<vmem>>
      %dma_wait3A_205 = arith.constant 0 : i32
      %dma_wait3A_206 = arith.constant 0 : i32
      %dma_wait3A_207 = tpu.memref_slice %arg2[%dma_wait3A_205, %dma_wait3A_206] : memref<10000x128xf32, #tpu.memory_space<hbm>> -> memref<10000x128xf32, #tpu.memory_space<hbm>>
      tpu.wait_indirect_dma semaphore(%arg17 : memref<!tpu.dma_semaphore, #tpu.memory_space<semaphore_mem>>) src(%dma_wait3A_207 : memref<10000x128xf32, #tpu.memory_space<hbm>>) dst(%arg12 : memref<80x128xf32, #tpu.memory_space<vmem>>)
      %run_scoped3A_208 = arith.constant 3 : i32
      "tpu.region"() ({
        %run_scoped3A_263 = tpu.sem_alloc : memref<!tpu.dma_semaphore, #tpu.memory_space<semaphore_mem>>
        %dma_start3A_264 = arith.constant 0 : i32
        %dma_start3A_265 = tpu.memref_slice %arg10[%run_scoped3A_208, %dma_start3A_264] : memref<8x80xi32, #tpu.memory_space<vmem>> -> memref<1x80xi32, #tpu.memory_space<vmem>>
        %dma_start3A_266 = tpu.memref_squeeze %dma_start3A_265 : memref<1x80xi32, #tpu.memory_space<vmem>> -> memref<80xi32, #tpu.memory_space<vmem>>
        %dma_start3A_267 = arith.constant 0 : i32
        %dma_start3A_268 = arith.constant 0 : i32
        %dma_start3A_269 = tpu.memref_slice %arg13[%dma_start3A_267, %dma_start3A_268] : memref<10240x128xf32, #tpu.memory_space<vmem_shared>> -> memref<10240x128xf32, #tpu.memory_space<vmem_shared>>
        tpu.enqueue_indirect_dma source(%arg12 : memref<80x128xf32, #tpu.memory_space<vmem>>) target(%dma_start3A_269 : memref<10240x128xf32, #tpu.memory_space<vmem_shared>>) offsets(%dma_start3A_266 : memref<80xi32, #tpu.memory_space<vmem>>) semaphore(%run_scoped3A_263 : memref<!tpu.dma_semaphore, #tpu.memory_space<semaphore_mem>>) {add = true}
        %dma_wait3A_270 = arith.constant 0 : i32
        %dma_wait3A_271 = tpu.memref_slice %arg10[%run_scoped3A_208, %dma_wait3A_270] : memref<8x80xi32, #tpu.memory_space<vmem>> -> memref<1x80xi32, #tpu.memory_space<vmem>>
        %dma_wait3A_272 = tpu.memref_squeeze %dma_wait3A_271 : memref<1x80xi32, #tpu.memory_space<vmem>> -> memref<80xi32, #tpu.memory_space<vmem>>
        %dma_wait3A_273 = arith.constant 0 : i32
        %dma_wait3A_274 = arith.constant 0 : i32
        %dma_wait3A_275 = tpu.memref_slice %arg13[%dma_wait3A_273, %dma_wait3A_274] : memref<10240x128xf32, #tpu.memory_space<vmem_shared>> -> memref<10240x128xf32, #tpu.memory_space<vmem_shared>>
        tpu.wait_indirect_dma semaphore(%run_scoped3A_263 : memref<!tpu.dma_semaphore, #tpu.memory_space<semaphore_mem>>) src(%arg12 : memref<80x128xf32, #tpu.memory_space<vmem>>) dst(%dma_wait3A_275 : memref<10240x128xf32, #tpu.memory_space<vmem_shared>>)
        tpu.yield
      }) : () -> ()
      %dma_start3A_209 = arith.constant 5 : i32
      %dma_start3A_210 = arith.constant 0 : i32
      %dma_start3A_211 = tpu.memref_slice %arg9[%dma_start3A_209, %dma_start3A_210] : memref<8x80xi32, #tpu.memory_space<vmem>> -> memref<1x80xi32, #tpu.memory_space<vmem>>
      %dma_start3A_212 = tpu.memref_squeeze %dma_start3A_211 : memref<1x80xi32, #tpu.memory_space<vmem>> -> memref<80xi32, #tpu.memory_space<vmem>>
      %dma_start3A_213 = arith.constant 0 : i32
      %dma_start3A_214 = arith.constant 0 : i32
      %dma_start3A_215 = tpu.memref_slice %arg2[%dma_start3A_213, %dma_start3A_214] : memref<10000x128xf32, #tpu.memory_space<hbm>> -> memref<10000x128xf32, #tpu.memory_space<hbm>>
      tpu.enqueue_indirect_dma source(%dma_start3A_215 : memref<10000x128xf32, #tpu.memory_space<hbm>>) target(%arg12 : memref<80x128xf32, #tpu.memory_space<vmem>>) offsets(%dma_start3A_212 : memref<80xi32, #tpu.memory_space<vmem>>) semaphore(%arg17 : memref<!tpu.dma_semaphore, #tpu.memory_space<semaphore_mem>>)
      %dma_wait3A_216 = arith.constant 4 : i32
      %dma_wait3A_217 = arith.constant 0 : i32
      %dma_wait3A_218 = tpu.memref_slice %arg9[%dma_wait3A_216, %dma_wait3A_217] : memref<8x80xi32, #tpu.memory_space<vmem>> -> memref<1x80xi32, #tpu.memory_space<vmem>>
      %dma_wait3A_219 = tpu.memref_squeeze %dma_wait3A_218 : memref<1x80xi32, #tpu.memory_space<vmem>> -> memref<80xi32, #tpu.memory_space<vmem>>
      %dma_wait3A_220 = arith.constant 0 : i32
      %dma_wait3A_221 = arith.constant 0 : i32
      %dma_wait3A_222 = tpu.memref_slice %arg2[%dma_wait3A_220, %dma_wait3A_221] : memref<10000x128xf32, #tpu.memory_space<hbm>> -> memref<10000x128xf32, #tpu.memory_space<hbm>>
      tpu.wait_indirect_dma semaphore(%arg16 : memref<!tpu.dma_semaphore, #tpu.memory_space<semaphore_mem>>) src(%dma_wait3A_222 : memref<10000x128xf32, #tpu.memory_space<hbm>>) dst(%arg11 : memref<80x128xf32, #tpu.memory_space<vmem>>)
      %run_scoped3A_223 = arith.constant 4 : i32
      "tpu.region"() ({
        %run_scoped3A_263 = tpu.sem_alloc : memref<!tpu.dma_semaphore, #tpu.memory_space<semaphore_mem>>
        %dma_start3A_264 = arith.constant 0 : i32
        %dma_start3A_265 = tpu.memref_slice %arg10[%run_scoped3A_223, %dma_start3A_264] : memref<8x80xi32, #tpu.memory_space<vmem>> -> memref<1x80xi32, #tpu.memory_space<vmem>>
        %dma_start3A_266 = tpu.memref_squeeze %dma_start3A_265 : memref<1x80xi32, #tpu.memory_space<vmem>> -> memref<80xi32, #tpu.memory_space<vmem>>
        %dma_start3A_267 = arith.constant 0 : i32
        %dma_start3A_268 = arith.constant 0 : i32
        %dma_start3A_269 = tpu.memref_slice %arg13[%dma_start3A_267, %dma_start3A_268] : memref<10240x128xf32, #tpu.memory_space<vmem_shared>> -> memref<10240x128xf32, #tpu.memory_space<vmem_shared>>
        tpu.enqueue_indirect_dma source(%arg11 : memref<80x128xf32, #tpu.memory_space<vmem>>) target(%dma_start3A_269 : memref<10240x128xf32, #tpu.memory_space<vmem_shared>>) offsets(%dma_start3A_266 : memref<80xi32, #tpu.memory_space<vmem>>) semaphore(%run_scoped3A_263 : memref<!tpu.dma_semaphore, #tpu.memory_space<semaphore_mem>>) {add = true}
        %dma_wait3A_270 = arith.constant 0 : i32
        %dma_wait3A_271 = tpu.memref_slice %arg10[%run_scoped3A_223, %dma_wait3A_270] : memref<8x80xi32, #tpu.memory_space<vmem>> -> memref<1x80xi32, #tpu.memory_space<vmem>>
        %dma_wait3A_272 = tpu.memref_squeeze %dma_wait3A_271 : memref<1x80xi32, #tpu.memory_space<vmem>> -> memref<80xi32, #tpu.memory_space<vmem>>
        %dma_wait3A_273 = arith.constant 0 : i32
        %dma_wait3A_274 = arith.constant 0 : i32
        %dma_wait3A_275 = tpu.memref_slice %arg13[%dma_wait3A_273, %dma_wait3A_274] : memref<10240x128xf32, #tpu.memory_space<vmem_shared>> -> memref<10240x128xf32, #tpu.memory_space<vmem_shared>>
        tpu.wait_indirect_dma semaphore(%run_scoped3A_263 : memref<!tpu.dma_semaphore, #tpu.memory_space<semaphore_mem>>) src(%arg11 : memref<80x128xf32, #tpu.memory_space<vmem>>) dst(%dma_wait3A_275 : memref<10240x128xf32, #tpu.memory_space<vmem_shared>>)
        tpu.yield
      }) : () -> ()
      %dma_start3A_224 = arith.constant 6 : i32
      %dma_start3A_225 = arith.constant 0 : i32
      %dma_start3A_226 = tpu.memref_slice %arg9[%dma_start3A_224, %dma_start3A_225] : memref<8x80xi32, #tpu.memory_space<vmem>> -> memref<1x80xi32, #tpu.memory_space<vmem>>
      %dma_start3A_227 = tpu.memref_squeeze %dma_start3A_226 : memref<1x80xi32, #tpu.memory_space<vmem>> -> memref<80xi32, #tpu.memory_space<vmem>>
      %dma_start3A_228 = arith.constant 0 : i32
      %dma_start3A_229 = arith.constant 0 : i32
      %dma_start3A_230 = tpu.memref_slice %arg2[%dma_start3A_228, %dma_start3A_229] : memref<10000x128xf32, #tpu.memory_space<hbm>> -> memref<10000x128xf32, #tpu.memory_space<hbm>>
      tpu.enqueue_indirect_dma source(%dma_start3A_230 : memref<10000x128xf32, #tpu.memory_space<hbm>>) target(%arg11 : memref<80x128xf32, #tpu.memory_space<vmem>>) offsets(%dma_start3A_227 : memref<80xi32, #tpu.memory_space<vmem>>) semaphore(%arg16 : memref<!tpu.dma_semaphore, #tpu.memory_space<semaphore_mem>>)
      %dma_wait3A_231 = arith.constant 5 : i32
      %dma_wait3A_232 = arith.constant 0 : i32
      %dma_wait3A_233 = tpu.memref_slice %arg9[%dma_wait3A_231, %dma_wait3A_232] : memref<8x80xi32, #tpu.memory_space<vmem>> -> memref<1x80xi32, #tpu.memory_space<vmem>>
      %dma_wait3A_234 = tpu.memref_squeeze %dma_wait3A_233 : memref<1x80xi32, #tpu.memory_space<vmem>> -> memref<80xi32, #tpu.memory_space<vmem>>
      %dma_wait3A_235 = arith.constant 0 : i32
      %dma_wait3A_236 = arith.constant 0 : i32
      %dma_wait3A_237 = tpu.memref_slice %arg2[%dma_wait3A_235, %dma_wait3A_236] : memref<10000x128xf32, #tpu.memory_space<hbm>> -> memref<10000x128xf32, #tpu.memory_space<hbm>>
      tpu.wait_indirect_dma semaphore(%arg17 : memref<!tpu.dma_semaphore, #tpu.memory_space<semaphore_mem>>) src(%dma_wait3A_237 : memref<10000x128xf32, #tpu.memory_space<hbm>>) dst(%arg12 : memref<80x128xf32, #tpu.memory_space<vmem>>)
      %run_scoped3A_238 = arith.constant 5 : i32
      "tpu.region"() ({
        %run_scoped3A_263 = tpu.sem_alloc : memref<!tpu.dma_semaphore, #tpu.memory_space<semaphore_mem>>
        %dma_start3A_264 = arith.constant 0 : i32
        %dma_start3A_265 = tpu.memref_slice %arg10[%run_scoped3A_238, %dma_start3A_264] : memref<8x80xi32, #tpu.memory_space<vmem>> -> memref<1x80xi32, #tpu.memory_space<vmem>>
        %dma_start3A_266 = tpu.memref_squeeze %dma_start3A_265 : memref<1x80xi32, #tpu.memory_space<vmem>> -> memref<80xi32, #tpu.memory_space<vmem>>
        %dma_start3A_267 = arith.constant 0 : i32
        %dma_start3A_268 = arith.constant 0 : i32
        %dma_start3A_269 = tpu.memref_slice %arg13[%dma_start3A_267, %dma_start3A_268] : memref<10240x128xf32, #tpu.memory_space<vmem_shared>> -> memref<10240x128xf32, #tpu.memory_space<vmem_shared>>
        tpu.enqueue_indirect_dma source(%arg12 : memref<80x128xf32, #tpu.memory_space<vmem>>) target(%dma_start3A_269 : memref<10240x128xf32, #tpu.memory_space<vmem_shared>>) offsets(%dma_start3A_266 : memref<80xi32, #tpu.memory_space<vmem>>) semaphore(%run_scoped3A_263 : memref<!tpu.dma_semaphore, #tpu.memory_space<semaphore_mem>>) {add = true}
        %dma_wait3A_270 = arith.constant 0 : i32
        %dma_wait3A_271 = tpu.memref_slice %arg10[%run_scoped3A_238, %dma_wait3A_270] : memref<8x80xi32, #tpu.memory_space<vmem>> -> memref<1x80xi32, #tpu.memory_space<vmem>>
        %dma_wait3A_272 = tpu.memref_squeeze %dma_wait3A_271 : memref<1x80xi32, #tpu.memory_space<vmem>> -> memref<80xi32, #tpu.memory_space<vmem>>
        %dma_wait3A_273 = arith.constant 0 : i32
        %dma_wait3A_274 = arith.constant 0 : i32
        %dma_wait3A_275 = tpu.memref_slice %arg13[%dma_wait3A_273, %dma_wait3A_274] : memref<10240x128xf32, #tpu.memory_space<vmem_shared>> -> memref<10240x128xf32, #tpu.memory_space<vmem_shared>>
        tpu.wait_indirect_dma semaphore(%run_scoped3A_263 : memref<!tpu.dma_semaphore, #tpu.memory_space<semaphore_mem>>) src(%arg12 : memref<80x128xf32, #tpu.memory_space<vmem>>) dst(%dma_wait3A_275 : memref<10240x128xf32, #tpu.memory_space<vmem_shared>>)
        tpu.yield
      }) : () -> ()
      %dma_start3A_239 = arith.constant 7 : i32
      %dma_start3A_240 = arith.constant 0 : i32
      %dma_start3A_241 = tpu.memref_slice %arg9[%dma_start3A_239, %dma_start3A_240] : memref<8x80xi32, #tpu.memory_space<vmem>> -> memref<1x80xi32, #tpu.memory_space<vmem>>
      %dma_start3A_242 = tpu.memref_squeeze %dma_start3A_241 : memref<1x80xi32, #tpu.memory_space<vmem>> -> memref<80xi32, #tpu.memory_space<vmem>>
      %dma_start3A_243 = arith.constant 0 : i32
      %dma_start3A_244 = arith.constant 0 : i32
      %dma_start3A_245 = tpu.memref_slice %arg2[%dma_start3A_243, %dma_start3A_244] : memref<10000x128xf32, #tpu.memory_space<hbm>> -> memref<10000x128xf32, #tpu.memory_space<hbm>>
      tpu.enqueue_indirect_dma source(%dma_start3A_245 : memref<10000x128xf32, #tpu.memory_space<hbm>>) target(%arg12 : memref<80x128xf32, #tpu.memory_space<vmem>>) offsets(%dma_start3A_242 : memref<80xi32, #tpu.memory_space<vmem>>) semaphore(%arg17 : memref<!tpu.dma_semaphore, #tpu.memory_space<semaphore_mem>>)
      %dma_wait3A_246 = arith.constant 6 : i32
      %dma_wait3A_247 = arith.constant 0 : i32
      %dma_wait3A_248 = tpu.memref_slice %arg9[%dma_wait3A_246, %dma_wait3A_247] : memref<8x80xi32, #tpu.memory_space<vmem>> -> memref<1x80xi32, #tpu.memory_space<vmem>>
      %dma_wait3A_249 = tpu.memref_squeeze %dma_wait3A_248 : memref<1x80xi32, #tpu.memory_space<vmem>> -> memref<80xi32, #tpu.memory_space<vmem>>
      %dma_wait3A_250 = arith.constant 0 : i32
      %dma_wait3A_251 = arith.constant 0 : i32
      %dma_wait3A_252 = tpu.memref_slice %arg2[%dma_wait3A_250, %dma_wait3A_251] : memref<10000x128xf32, #tpu.memory_space<hbm>> -> memref<10000x128xf32, #tpu.memory_space<hbm>>
      tpu.wait_indirect_dma semaphore(%arg16 : memref<!tpu.dma_semaphore, #tpu.memory_space<semaphore_mem>>) src(%dma_wait3A_252 : memref<10000x128xf32, #tpu.memory_space<hbm>>) dst(%arg11 : memref<80x128xf32, #tpu.memory_space<vmem>>)
      %run_scoped3A_253 = arith.constant 6 : i32
      "tpu.region"() ({
        %run_scoped3A_263 = tpu.sem_alloc : memref<!tpu.dma_semaphore, #tpu.memory_space<semaphore_mem>>
        %dma_start3A_264 = arith.constant 0 : i32
        %dma_start3A_265 = tpu.memref_slice %arg10[%run_scoped3A_253, %dma_start3A_264] : memref<8x80xi32, #tpu.memory_space<vmem>> -> memref<1x80xi32, #tpu.memory_space<vmem>>
        %dma_start3A_266 = tpu.memref_squeeze %dma_start3A_265 : memref<1x80xi32, #tpu.memory_space<vmem>> -> memref<80xi32, #tpu.memory_space<vmem>>
        %dma_start3A_267 = arith.constant 0 : i32
        %dma_start3A_268 = arith.constant 0 : i32
        %dma_start3A_269 = tpu.memref_slice %arg13[%dma_start3A_267, %dma_start3A_268] : memref<10240x128xf32, #tpu.memory_space<vmem_shared>> -> memref<10240x128xf32, #tpu.memory_space<vmem_shared>>
        tpu.enqueue_indirect_dma source(%arg11 : memref<80x128xf32, #tpu.memory_space<vmem>>) target(%dma_start3A_269 : memref<10240x128xf32, #tpu.memory_space<vmem_shared>>) offsets(%dma_start3A_266 : memref<80xi32, #tpu.memory_space<vmem>>) semaphore(%run_scoped3A_263 : memref<!tpu.dma_semaphore, #tpu.memory_space<semaphore_mem>>) {add = true}
        %dma_wait3A_270 = arith.constant 0 : i32
        %dma_wait3A_271 = tpu.memref_slice %arg10[%run_scoped3A_253, %dma_wait3A_270] : memref<8x80xi32, #tpu.memory_space<vmem>> -> memref<1x80xi32, #tpu.memory_space<vmem>>
        %dma_wait3A_272 = tpu.memref_squeeze %dma_wait3A_271 : memref<1x80xi32, #tpu.memory_space<vmem>> -> memref<80xi32, #tpu.memory_space<vmem>>
        %dma_wait3A_273 = arith.constant 0 : i32
        %dma_wait3A_274 = arith.constant 0 : i32
        %dma_wait3A_275 = tpu.memref_slice %arg13[%dma_wait3A_273, %dma_wait3A_274] : memref<10240x128xf32, #tpu.memory_space<vmem_shared>> -> memref<10240x128xf32, #tpu.memory_space<vmem_shared>>
        tpu.wait_indirect_dma semaphore(%run_scoped3A_263 : memref<!tpu.dma_semaphore, #tpu.memory_space<semaphore_mem>>) src(%arg11 : memref<80x128xf32, #tpu.memory_space<vmem>>) dst(%dma_wait3A_275 : memref<10240x128xf32, #tpu.memory_space<vmem_shared>>)
        tpu.yield
      }) : () -> ()
      %dma_wait3A_254 = arith.constant 7 : i32
      %dma_wait3A_255 = arith.constant 0 : i32
      %dma_wait3A_256 = tpu.memref_slice %arg9[%dma_wait3A_254, %dma_wait3A_255] : memref<8x80xi32, #tpu.memory_space<vmem>> -> memref<1x80xi32, #tpu.memory_space<vmem>>
      %dma_wait3A_257 = tpu.memref_squeeze %dma_wait3A_256 : memref<1x80xi32, #tpu.memory_space<vmem>> -> memref<80xi32, #tpu.memory_space<vmem>>
      %dma_wait3A_258 = arith.constant 0 : i32
      %dma_wait3A_259 = arith.constant 0 : i32
      %dma_wait3A_260 = tpu.memref_slice %arg2[%dma_wait3A_258, %dma_wait3A_259] : memref<10000x128xf32, #tpu.memory_space<hbm>> -> memref<10000x128xf32, #tpu.memory_space<hbm>>
      tpu.wait_indirect_dma semaphore(%arg17 : memref<!tpu.dma_semaphore, #tpu.memory_space<semaphore_mem>>) src(%dma_wait3A_260 : memref<10000x128xf32, #tpu.memory_space<hbm>>) dst(%arg12 : memref<80x128xf32, #tpu.memory_space<vmem>>)
      %run_scoped3A_261 = arith.constant 7 : i32
      "tpu.region"() ({
        %run_scoped3A_263 = tpu.sem_alloc : memref<!tpu.dma_semaphore, #tpu.memory_space<semaphore_mem>>
        %dma_start3A_264 = arith.constant 0 : i32
        %dma_start3A_265 = tpu.memref_slice %arg10[%run_scoped3A_261, %dma_start3A_264] : memref<8x80xi32, #tpu.memory_space<vmem>> -> memref<1x80xi32, #tpu.memory_space<vmem>>
        %dma_start3A_266 = tpu.memref_squeeze %dma_start3A_265 : memref<1x80xi32, #tpu.memory_space<vmem>> -> memref<80xi32, #tpu.memory_space<vmem>>
        %dma_start3A_267 = arith.constant 0 : i32
        %dma_start3A_268 = arith.constant 0 : i32
        %dma_start3A_269 = tpu.memref_slice %arg13[%dma_start3A_267, %dma_start3A_268] : memref<10240x128xf32, #tpu.memory_space<vmem_shared>> -> memref<10240x128xf32, #tpu.memory_space<vmem_shared>>
        tpu.enqueue_indirect_dma source(%arg12 : memref<80x128xf32, #tpu.memory_space<vmem>>) target(%dma_start3A_269 : memref<10240x128xf32, #tpu.memory_space<vmem_shared>>) offsets(%dma_start3A_266 : memref<80xi32, #tpu.memory_space<vmem>>) semaphore(%run_scoped3A_263 : memref<!tpu.dma_semaphore, #tpu.memory_space<semaphore_mem>>) {add = true}
        %dma_wait3A_270 = arith.constant 0 : i32
        %dma_wait3A_271 = tpu.memref_slice %arg10[%run_scoped3A_261, %dma_wait3A_270] : memref<8x80xi32, #tpu.memory_space<vmem>> -> memref<1x80xi32, #tpu.memory_space<vmem>>
        %dma_wait3A_272 = tpu.memref_squeeze %dma_wait3A_271 : memref<1x80xi32, #tpu.memory_space<vmem>> -> memref<80xi32, #tpu.memory_space<vmem>>
        %dma_wait3A_273 = arith.constant 0 : i32
        %dma_wait3A_274 = arith.constant 0 : i32
        %dma_wait3A_275 = tpu.memref_slice %arg13[%dma_wait3A_273, %dma_wait3A_274] : memref<10240x128xf32, #tpu.memory_space<vmem_shared>> -> memref<10240x128xf32, #tpu.memory_space<vmem_shared>>
        tpu.wait_indirect_dma semaphore(%run_scoped3A_263 : memref<!tpu.dma_semaphore, #tpu.memory_space<semaphore_mem>>) src(%arg12 : memref<80x128xf32, #tpu.memory_space<vmem>>) dst(%dma_wait3A_275 : memref<10240x128xf32, #tpu.memory_space<vmem_shared>>)
        tpu.yield
      }) : () -> ()
      %scan3A_262 = arith.constant 0 : i32
      scf.yield %scan3A_262 : i32
    }
    %scan3A_8 = arith.constant 8 : i32
    %barrier3A_9 = arith.constant 0 : index
    tpu.barrier barrier_id(%barrier3A_9)
    %mul3A_10 = arith.constant 640 : i32
    %mul3A_11 = arith.muli %arg1, %mul3A_10 : i32
    %mul3A_12 = arith.constant 640 : i32
    %mul3A_13 = arith.muli %arg1, %mul3A_12 : i32
    "tpu.region"() ({
      %run_scoped3A = tpu.sem_alloc : memref<!tpu.dma_semaphore, #tpu.memory_space<semaphore_mem>>
      %dma_start3A = arith.constant 0 : i32
      %dma_start3A_14 = tpu.memref_slice %arg6[%arg0, %mul3A_13, %dma_start3A] : memref<2x10240x128xf32, #tpu.memory_space<hbm>> -> memref<1x640x128xf32, #tpu.memory_space<hbm>>
      %dma_start3A_15 = tpu.memref_squeeze %dma_start3A_14 : memref<1x640x128xf32, #tpu.memory_space<hbm>> -> memref<640x128xf32, #tpu.memory_space<hbm>>
      %dma_start3A_16 = arith.constant 0 : i32
      %dma_start3A_17 = tpu.memref_slice %arg13[%mul3A_11, %dma_start3A_16] : memref<10240x128xf32, #tpu.memory_space<vmem_shared>> -> memref<640x128xf32, #tpu.memory_space<vmem_shared>>
      tpu.enqueue_dma source(%dma_start3A_17 : memref<640x128xf32, #tpu.memory_space<vmem_shared>>) target(%dma_start3A_15 : memref<640x128xf32, #tpu.memory_space<hbm>>) target_semaphore(%run_scoped3A : memref<!tpu.dma_semaphore, #tpu.memory_space<semaphore_mem>>)
      %dma_wait3A = arith.constant 0 : i32
      %dma_wait3A_18 = tpu.memref_slice %arg6[%arg0, %mul3A_13, %dma_wait3A] : memref<2x10240x128xf32, #tpu.memory_space<hbm>> -> memref<1x640x128xf32, #tpu.memory_space<hbm>>
      %dma_wait3A_19 = tpu.memref_squeeze %dma_wait3A_18 : memref<1x640x128xf32, #tpu.memory_space<hbm>> -> memref<640x128xf32, #tpu.memory_space<hbm>>
      %dma_wait3A_20 = arith.constant 0 : i32
      %dma_wait3A_21 = tpu.memref_slice %arg13[%mul3A_11, %dma_wait3A_20] : memref<10240x128xf32, #tpu.memory_space<vmem_shared>> -> memref<640x128xf32, #tpu.memory_space<vmem_shared>>
      tpu.wait_dma2 semaphore(%run_scoped3A : memref<!tpu.dma_semaphore, #tpu.memory_space<semaphore_mem>>) src(%dma_wait3A_21 : memref<640x128xf32, #tpu.memory_space<vmem_shared>>) dst(%dma_wait3A_19 : memref<640x128xf32, #tpu.memory_space<hbm>>)
      tpu.yield
    }) : () -> ()
    return
  }
}

module attributes {stable_mosaic.version = 14 : i64} {
  func.func @_mid_body(%arg0: i32, %arg1: memref<1000x128xf32, #tpu.memory_space<vmem>>, %arg2: memref<128x128xf32, #tpu.memory_space<vmem>>, %arg3: memref<1x128xf32, #tpu.memory_space<vmem>>, %arg4: memref<128x128xf32, #tpu.memory_space<vmem>>, %arg5: memref<1000x1xf32, #tpu.memory_space<vmem>>, %arg6: memref<1000x1xf32, #tpu.memory_space<vmem>>, %arg7: memref<1000x128xf32, #tpu.memory_space<vmem>>, %arg8: memref<1000x1xf32, #tpu.memory_space<vmem>>) attributes {dimension_semantics = [#tpu.dimension_semantics<arbitrary>], iteration_bounds = array<i64: 10>, scalar_prefetch = 0 : i64, scratch_operands = 0 : i64, tpu.core_type = #tpu.core_type<tc>, window_params = [{transform_indices = @transform_0, window_bounds = array<i64: 1000, 128>}, {pipeline_mode = #tpu.pipeline_mode<synchronous>, transform_indices = @transform_1, window_bounds = array<i64: 128, 128>}, {pipeline_mode = #tpu.pipeline_mode<synchronous>, transform_indices = @transform_2, window_bounds = array<i64: 1, 128>}, {pipeline_mode = #tpu.pipeline_mode<synchronous>, transform_indices = @transform_3, window_bounds = array<i64: 128, 128>}, {transform_indices = @transform_4, window_bounds = array<i64: 1000, 1>}, {transform_indices = @transform_5, window_bounds = array<i64: 1000, 1>}, {transform_indices = @transform_6, window_bounds = array<i64: 1000, 128>}, {transform_indices = @transform_7, window_bounds = array<i64: 1000, 1>}]} {
    %get3A = arith.constant 0 : index
    %get3A_0 = arith.constant 0 : index
    %get3A_1 = vector.load %arg1[%get3A, %get3A_0] : memref<1000x128xf32, #tpu.memory_space<vmem>>, vector<1000x128xf32>
    %get3A_2 = arith.constant 0 : index
    %get3A_3 = arith.constant 0 : index
    %get3A_4 = vector.load %arg2[%get3A_2, %get3A_3] : memref<128x128xf32, #tpu.memory_space<vmem>>, vector<128x128xf32>
    %dot_general3A = arith.constant dense<0.000000e+00> : vector<1000x128xf32>
    %dot_general3A_5 = tpu.matmul %get3A_1, %get3A_4, %dot_general3A {dimension_numbers = #tpu.dot_dimension_numbers<[1], [0], [0], [1], [0, 0, 1, 1], [], []>, transpose_lhs_hint = false} : vector<1000x128xf32>, vector<128x128xf32>, vector<1000x128xf32> -> vector<1000x128xf32>
    %get3A_6 = arith.constant 0 : index
    %get3A_7 = arith.constant 0 : index
    %get3A_8 = vector.load %arg3[%get3A_6, %get3A_7] : memref<1x128xf32, #tpu.memory_space<vmem>>, vector<1x128xf32>
    %add3A = vector.broadcast %get3A_8 : vector<1x128xf32> to vector<1000x128xf32>
    %add3A_9 = arith.addf %dot_general3A_5, %add3A : vector<1000x128xf32>
    %max3A = arith.constant 0.000000e+00 : f32
    %max3A_10 = vector.broadcast %max3A : f32 to vector<1000x128xf32>
    %max3A_11 = arith.maximumf %add3A_9, %max3A_10 : vector<1000x128xf32>
    %get3A_12 = arith.constant 0 : index
    %get3A_13 = arith.constant 0 : index
    %get3A_14 = vector.load %arg4[%get3A_12, %get3A_13] : memref<128x128xf32, #tpu.memory_space<vmem>>, vector<128x128xf32>
    %dot_general3A_15 = arith.constant dense<0.000000e+00> : vector<1000x128xf32>
    %dot_general3A_16 = tpu.matmul %max3A_11, %get3A_14, %dot_general3A_15 {dimension_numbers = #tpu.dot_dimension_numbers<[1], [0], [0], [1], [0, 0, 1, 1], [], []>, transpose_lhs_hint = false} : vector<1000x128xf32>, vector<128x128xf32>, vector<1000x128xf32> -> vector<1000x128xf32>
    %get3A_17 = arith.constant 0 : index
    %get3A_18 = arith.constant 0 : index
    %get3A_19 = vector.load %arg5[%get3A_17, %get3A_18] : memref<1000x1xf32, #tpu.memory_space<vmem>>, vector<1000x1xf32>
    %get3A_20 = arith.constant 0 : index
    %get3A_21 = arith.constant 0 : index
    %get3A_22 = vector.load %arg6[%get3A_20, %get3A_21] : memref<1000x1xf32, #tpu.memory_space<vmem>>, vector<1000x1xf32>
    %add3A_23 = arith.addf %get3A_19, %get3A_22 : vector<1000x1xf32>
    %add3A_24 = arith.constant 1.000000e+00 : f32
    %add3A_25 = vector.broadcast %add3A_24 : f32 to vector<1000x1xf32>
    %add3A_26 = arith.addf %add3A_23, %add3A_25 : vector<1000x1xf32>
    %rsqrt3A = math.rsqrt %add3A_26 : vector<1000x1xf32>
    %mul3A = vector.broadcast %rsqrt3A : vector<1000x1xf32> to vector<1000x128xf32>
    %mul3A_27 = arith.mulf %dot_general3A_16, %mul3A : vector<1000x128xf32>
    %swap3A = arith.constant 0 : index
    %swap3A_28 = arith.constant 0 : index
    %swap3A_29 = vector.load %arg7[%swap3A, %swap3A_28] : memref<1000x128xf32, #tpu.memory_space<vmem>>, vector<1000x128xf32>
    tpu.vector_store %arg7[%swap3A, %swap3A_28], %mul3A_27 {strides = array<i32>} : memref<1000x128xf32, #tpu.memory_space<vmem>>, vector<1000x128xf32>,
    %swap3A_30 = arith.constant 0 : index
    %swap3A_31 = arith.constant 0 : index
    %swap3A_32 = vector.load %arg8[%swap3A_30, %swap3A_31] : memref<1000x1xf32, #tpu.memory_space<vmem>>, vector<1000x1xf32>
    tpu.vector_store %arg8[%swap3A_30, %swap3A_31], %rsqrt3A {strides = array<i32>} : memref<1000x1xf32, #tpu.memory_space<vmem>>, vector<1000x1xf32>,
    return
  }
  func.func @transform_0(%arg0: i32) -> (i32, i32) {
    %c0_i32 = arith.constant 0 : i32
    %c0_i32_0 = arith.constant 0 : i32
    return %arg0, %c0_i32 : i32, i32
  }
  func.func @transform_1(%arg0: i32) -> (i32, i32) {
    %c0_i32 = arith.constant 0 : i32
    %c0_i32_0 = arith.constant 0 : i32
    %c0_i32_1 = arith.constant 0 : i32
    return %c0_i32, %c0_i32_0 : i32, i32
  }
  func.func @transform_2(%arg0: i32) -> (i32, i32) {
    %c0_i32 = arith.constant 0 : i32
    %c0_i32_0 = arith.constant 0 : i32
    %c0_i32_1 = arith.constant 0 : i32
    return %c0_i32, %c0_i32_0 : i32, i32
  }
  func.func @transform_3(%arg0: i32) -> (i32, i32) {
    %c0_i32 = arith.constant 0 : i32
    %c0_i32_0 = arith.constant 0 : i32
    %c0_i32_1 = arith.constant 0 : i32
    return %c0_i32, %c0_i32_0 : i32, i32
  }
  func.func @transform_4(%arg0: i32) -> (i32, i32) {
    %c0_i32 = arith.constant 0 : i32
    %c0_i32_0 = arith.constant 0 : i32
    return %arg0, %c0_i32 : i32, i32
  }
  func.func @transform_5(%arg0: i32) -> (i32, i32) {
    %c0_i32 = arith.constant 0 : i32
    %c0_i32_0 = arith.constant 0 : i32
    return %arg0, %c0_i32 : i32, i32
  }
  func.func @transform_6(%arg0: i32) -> (i32, i32) {
    %c0_i32 = arith.constant 0 : i32
    %c0_i32_0 = arith.constant 0 : i32
    return %arg0, %c0_i32 : i32, i32
  }
  func.func @transform_7(%arg0: i32) -> (i32, i32) {
    %c0_i32 = arith.constant 0 : i32
    %c0_i32_0 = arith.constant 0 : i32
    return %arg0, %c0_i32 : i32, i32
  }
}

module attributes {stable_mosaic.version = 14 : i64} {
  func.func @_out_body(%arg0: i32, %arg1: memref<2x1000x128xf32, #tpu.memory_space<vmem>>, %arg2: memref<1000x128xf32, #tpu.memory_space<vmem>>, %arg3: memref<1000x1xf32, #tpu.memory_space<vmem>>, %arg4: memref<1x128xf32, #tpu.memory_space<vmem>>, %arg5: memref<128x40xf32, #tpu.memory_space<vmem>>, %arg6: memref<1x40xf32, #tpu.memory_space<vmem>>, %arg7: memref<1000x40xf32, #tpu.memory_space<vmem>>) attributes {dimension_semantics = [#tpu.dimension_semantics<arbitrary>], iteration_bounds = array<i64: 10>, scalar_prefetch = 0 : i64, scratch_operands = 0 : i64, tpu.core_type = #tpu.core_type<tc>, window_params = [{transform_indices = @transform_0, window_bounds = array<i64: 2, 1000, 128>}, {transform_indices = @transform_1, window_bounds = array<i64: 1000, 128>}, {transform_indices = @transform_2, window_bounds = array<i64: 1000, 1>}, {pipeline_mode = #tpu.pipeline_mode<synchronous>, transform_indices = @transform_3, window_bounds = array<i64: 1, 128>}, {pipeline_mode = #tpu.pipeline_mode<synchronous>, transform_indices = @transform_4, window_bounds = array<i64: 128, 40>}, {pipeline_mode = #tpu.pipeline_mode<synchronous>, transform_indices = @transform_5, window_bounds = array<i64: 1, 40>}, {transform_indices = @transform_6, window_bounds = array<i64: 1000, 40>}]} {
    %get3A = arith.constant 0 : index
    %get3A_0 = arith.constant 0 : index
    %get3A_1 = arith.constant 0 : index
    %get3A_2 = vector.load %arg1[%get3A, %get3A_0, %get3A_1] : memref<2x1000x128xf32, #tpu.memory_space<vmem>>, vector<1x1000x128xf32>
    %get3A_3 = vector.shape_cast %get3A_2 : vector<1x1000x128xf32> to vector<1000x128xf32>
    %get3A_4 = arith.constant 1 : index
    %get3A_5 = arith.constant 0 : index
    %get3A_6 = arith.constant 0 : index
    %get3A_7 = vector.load %arg1[%get3A_4, %get3A_5, %get3A_6] : memref<2x1000x128xf32, #tpu.memory_space<vmem>>, vector<1x1000x128xf32>
    %get3A_8 = vector.shape_cast %get3A_7 : vector<1x1000x128xf32> to vector<1000x128xf32>
    %add3A = arith.addf %get3A_3, %get3A_8 : vector<1000x128xf32>
    %get3A_9 = arith.constant 0 : index
    %get3A_10 = arith.constant 0 : index
    %get3A_11 = vector.load %arg2[%get3A_9, %get3A_10] : memref<1000x128xf32, #tpu.memory_space<vmem>>, vector<1000x128xf32>
    %add3A_12 = arith.addf %add3A, %get3A_11 : vector<1000x128xf32>
    %get3A_13 = arith.constant 0 : index
    %get3A_14 = arith.constant 0 : index
    %get3A_15 = vector.load %arg3[%get3A_13, %get3A_14] : memref<1000x1xf32, #tpu.memory_space<vmem>>, vector<1000x1xf32>
    %mul3A = vector.broadcast %get3A_15 : vector<1000x1xf32> to vector<1000x128xf32>
    %mul3A_16 = arith.mulf %add3A_12, %mul3A : vector<1000x128xf32>
    %get3A_17 = arith.constant 0 : index
    %get3A_18 = arith.constant 0 : index
    %get3A_19 = vector.load %arg4[%get3A_17, %get3A_18] : memref<1x128xf32, #tpu.memory_space<vmem>>, vector<1x128xf32>
    %add3A_20 = vector.broadcast %get3A_19 : vector<1x128xf32> to vector<1000x128xf32>
    %add3A_21 = arith.addf %mul3A_16, %add3A_20 : vector<1000x128xf32>
    %max3A = arith.constant 0.000000e+00 : f32
    %max3A_22 = vector.broadcast %max3A : f32 to vector<1000x128xf32>
    %max3A_23 = arith.maximumf %add3A_21, %max3A_22 : vector<1000x128xf32>
    %get3A_24 = arith.constant 0 : index
    %get3A_25 = arith.constant 0 : index
    %get3A_26 = vector.load %arg5[%get3A_24, %get3A_25] : memref<128x40xf32, #tpu.memory_space<vmem>>, vector<128x40xf32>
    %dot_general3A = arith.constant dense<0.000000e+00> : vector<1000x40xf32>
    %dot_general3A_27 = tpu.matmul %max3A_23, %get3A_26, %dot_general3A {dimension_numbers = #tpu.dot_dimension_numbers<[1], [0], [0], [1], [0, 0, 1, 1], [], []>, transpose_lhs_hint = false} : vector<1000x128xf32>, vector<128x40xf32>, vector<1000x40xf32> -> vector<1000x40xf32>
    %get3A_28 = arith.constant 0 : index
    %get3A_29 = arith.constant 0 : index
    %get3A_30 = vector.load %arg6[%get3A_28, %get3A_29] : memref<1x40xf32, #tpu.memory_space<vmem>>, vector<1x40xf32>
    %add3A_31 = vector.broadcast %get3A_30 : vector<1x40xf32> to vector<1000x40xf32>
    %add3A_32 = arith.addf %dot_general3A_27, %add3A_31 : vector<1000x40xf32>
    %swap3A = arith.constant 0 : index
    %swap3A_33 = arith.constant 0 : index
    %swap3A_34 = vector.load %arg7[%swap3A, %swap3A_33] : memref<1000x40xf32, #tpu.memory_space<vmem>>, vector<1000x40xf32>
    tpu.vector_store %arg7[%swap3A, %swap3A_33], %add3A_32 {strides = array<i32>} : memref<1000x40xf32, #tpu.memory_space<vmem>>, vector<1000x40xf32>,
    return
  }
  func.func @transform_0(%arg0: i32) -> (i32, i32, i32) {
    %c0_i32 = arith.constant 0 : i32
    %c0_i32_0 = arith.constant 0 : i32
    %c0_i32_1 = arith.constant 0 : i32
    return %c0_i32, %arg0, %c0_i32_0 : i32, i32, i32
  }
  func.func @transform_1(%arg0: i32) -> (i32, i32) {
    %c0_i32 = arith.constant 0 : i32
    %c0_i32_0 = arith.constant 0 : i32
    return %arg0, %c0_i32 : i32, i32
  }
  func.func @transform_2(%arg0: i32) -> (i32, i32) {
    %c0_i32 = arith.constant 0 : i32
    %c0_i32_0 = arith.constant 0 : i32
    return %arg0, %c0_i32 : i32, i32
  }
  func.func @transform_3(%arg0: i32) -> (i32, i32) {
    %c0_i32 = arith.constant 0 : i32
    %c0_i32_0 = arith.constant 0 : i32
    %c0_i32_1 = arith.constant 0 : i32
    return %c0_i32, %c0_i32_0 : i32, i32
  }
  func.func @transform_4(%arg0: i32) -> (i32, i32) {
    %c0_i32 = arith.constant 0 : i32
    %c0_i32_0 = arith.constant 0 : i32
    %c0_i32_1 = arith.constant 0 : i32
    return %c0_i32, %c0_i32_0 : i32, i32
  }
  func.func @transform_5(%arg0: i32) -> (i32, i32) {
    %c0_i32 = arith.constant 0 : i32
    %c0_i32_0 = arith.constant 0 : i32
    %c0_i32_1 = arith.constant 0 : i32
    return %c0_i32, %c0_i32_0 : i32, i32
  }
  func.func @transform_6(%arg0: i32) -> (i32, i32) {
    %c0_i32 = arith.constant 0 : i32
    %c0_i32_0 = arith.constant 0 : i32
    return %arg0, %c0_i32 : i32, i32
  }
}

</mosaic_0001>

<sc_bundles>
// kernel: kernel.6.cloned.1.call-start
scs
__scs_entry_jumppad:
0x0: {  	(pc) =	sbr.rel $0x88, $3  }
0x1: {  	(tag) =	ssettag $0x0;
	lr =	simm.s32 $0x1  }
0x2: {  	[smem:$0x3F99] =	sst lr;
	_ =	strace $0xD0000000  }
0x3: {  	_ = 	snop  }
0x4: {  	_ = 	snop  }
0x5: {  	_ = 	snop  }
0x6: {  	_ = 	snop  }
0x7: {  	_ = 	snop  }
__scs_overlays_trampoline_lowered:
0x8: {  	[smem:$0x3FA8] =	sst s0  }
0x9: {  	[smem:$0x3FA9] =	sst s1  }
0xa: {  	[smem:$0x3FAA] =	sst s2  }
0xb: {  	[smem:$0x3FAB] =	sst s3  }
0xc: {  	[smem:$0x3FAC] =	sst s4  }
0xd: {  	[smem:$0x3FAD] =	sst s5  }
0xe: {  	[smem:$0x3FAE] =	sst s6  }
0xf: {  	[smem:$0x3FAF] =	sst s7  }
0x10: {  	[smem:$0x3FB0] =	sst s8  }
0x11: {  	[smem:$0x3FB1] =	sst s9;
	s0 =	simm.s32 @!p0 $0x0  }
0x12: {  	s1 =	sld [smem:$0x3F97];
	s0 =	simm.s32 @p0 $0x1  }
0x13: {  	[smem:$0x3FB2] =	sst s0;
	s0 =	simm.s32 @!p1 $0x0  }
0x14: {  	s2 =	sld [smem:$0x3F96];
	s0 =	simm.s32 @p1 $0x1  }
0x15: {  	[smem:$0x3FB3] =	sst s0;
	s0 =	simm.s32 @!p2 $0x0  }
0x16: {  	s3 =	sld [smem:$0x3FDB];
	s0 =	simm.s32 @p2 $0x1  }
0x17: {  	s4 =	simm.s32 $0x1BF5;
	[smem:$0x3FB5] =	sst s0  }
0x18: {  	s0 =	sld [smem:$0x3F98];
	_ =	swait.ge [sflag:s4], $0x0  }
0x19: {  	s7 =	sld [smem:$0x3F99]  }
0x1a: {  	s8 =	sadd.s32 $0xFFFFE003, lr  }
0x1b: {  	s9 =	sadd.s32 $0xFFFFFEF7, lr;
	s5 =	simm.s32 $0xFFFFFFFF;
	p2 =	slt.u32 s8, $0xFFFFF086  }
0x1c: {  	p1 =	slt.u32 s9, $0xF7A;
	s5 =	simm.s32 @!p2 $0x0  }
0x1d: {  	s5 =	simm.s32 @p1 $0x1;
	p0 =	seq.s32 s7, s2  }
0x1e: {  	s7 =	smul.u32 @!p0 $0xF7A, s2;
	p2 =	seq.s32 @!p0 s5, $0x0  }
0x1f: {  	s9 =	smul.u32 $0xF7A, s1;
	s8 =	simm.s32 @!p0 $0x1BF5;
	p2 =	por !p2, p0  }
0x20: {  	[sflag:s8] =	ssyncset.s32 @!p0 $0xFFFFF086;
	s6 =	sadd.s32 @!p0 s3, s7;
	s7 =	simm.s32 @!p0 $0x108  }
0x21: {  	s3 =	sadd.s32 s3, s9;
	s6 =	sadd.s32 @!p0 $0x88, s6;
	s7 =	simm.s32 @p2 $0x1082  }
0x22: {  	[simem:s7], [sflag:s8] =	dma.local @!p0 [hbm:s6], $0xF7A  }
0x23: {  	s9 =	sor.u32 $0xD0000000, s2;
	s6 =	simm.s32 $0x108;
	_ =	swait.ge @!p0 [sflag:s8], $0x0  }
0x24: {  	s3 =	sadd.s32 $0x88, s3;
	s6 =	simm.s32 @!p1 $0x1082;
	[sflag:s4] =	ssyncset.s32 $0xFFFFF086  }
0x25: {  	[simem:s6], [sflag:s4] =	dma.local [hbm:s3], $0xF7A  }
0x26: {  	[smem:$0x3F99] =	sst s1;
	(tag) =	ssettag s2;
	_ =	strace s9  }
0x27: {  	s1 =	sld [smem:$0x3FA9]  }
0x28: {  	s2 =	sld [smem:$0x3FAA]  }
0x29: {  	s4 =	sld [smem:$0x3FAC]  }
0x2a: {  	p0 =	seq.s32 s5, $0x0;
	s5 =	sld [smem:$0x3FAD]  }
0x2b: {  	s6 =	sld [smem:$0x3FAE]  }
0x2c: {  	s7 =	sld [smem:$0x3FAF]  }
0x2d: {  	s3 =	simm.s32 $0x108;
	s8 =	sld [smem:$0x3FB0]  }
0x2e: {  	s3 =	simm.s32 @!p0 $0x1082;
	s9 =	sld [smem:$0x3FB1]  }
0x2f: {  	lr =	sadd.s32 s0, s3;
	s0 =	sld [smem:$0x3FA8]  }
0x30: {  	s3 =	sld [smem:$0x3FAB]  }
0x31: {  	[smem:$0x3FB4] =	sst s10  }
0x32: {  	s10 =	sld [smem:$0x3FB2];
	_ =	sdelay $0x3  }
0x33: {  	p0 =	seq.s32 s10, $0x1;
	s10 =	sld [smem:$0x3FB4];
	_ =	sdelay $0x3  }
0x34: {  	[smem:$0x3FB4] =	sst s10  }
0x35: {  	s10 =	sld [smem:$0x3FB3];
	_ =	sdelay $0x3  }
0x36: {  	p1 =	seq.s32 s10, $0x1;
	s10 =	sld [smem:$0x3FB4];
	_ =	sdelay $0x3  }
0x37: {  	[smem:$0x3FB4] =	sst s10  }
0x38: {  	s10 =	sld [smem:$0x3FB5]  }
0x39: {  	_ = 	snop;
	(pc) =	sbr.ind lr, $3  }
0x3a: {  	_ = 	snop  }
0x3b: {  	_ = 	snop  }
0x3c: {  	p2 =	seq.s32 s10, $0x1;
	s10 =	sld [smem:$0x3FB4]  }
0x3d: {  	_ =	shalt  }
0x3e: {  	_ =	shalt  }
0x3f: {  	_ =	shalt  }
0x40: {  	_ =	shalt  }
0x41: {  	_ =	shalt  }
0x42: {  	_ =	shalt  }
0x43: {  	_ =	shalt  }
0x44: {  	_ =	shalt  }
0x45: {  	_ =	shalt  }
0x46: {  	_ =	shalt  }
0x47: {  	_ =	shalt  }
0x48: {  	_ =	shalt  }
0x49: {  	_ =	shalt  }
0x4a: {  	_ =	shalt  }
0x4b: {  	_ =	shalt  }
0x4c: {  	_ =	shalt  }
0x4d: {  	_ =	shalt  }
0x4e: {  	_ =	shalt  }
0x4f: {  	_ =	shalt  }
0x50: {  	_ =	shalt  }
0x51: {  	_ =	shalt  }
0x52: {  	_ =	shalt  }
0x53: {  	_ =	shalt  }
0x54: {  	_ =	shalt  }
0x55: {  	_ =	shalt  }
0x56: {  	_ =	shalt  }
0x57: {  	_ =	shalt  }
0x58: {  	_ =	shalt  }
0x59: {  	_ =	shalt  }
0x5a: {  	_ =	shalt  }
0x5b: {  	_ =	shalt  }
0x5c: {  	_ =	shalt  }
0x5d: {  	_ =	shalt  }
0x5e: {  	_ =	shalt  }
0x5f: {  	_ =	shalt  }
0x60: {  	_ =	shalt  }
0x61: {  	_ =	shalt  }
0x62: {  	_ =	shalt  }
0x63: {  	_ =	shalt  }
0x64: {  	_ =	shalt  }
0x65: {  	_ =	shalt  }
0x66: {  	_ =	shalt  }
0x67: {  	_ =	shalt  }
0x68: {  	_ =	shalt  }
0x69: {  	_ =	shalt  }
0x6a: {  	_ =	shalt  }
0x6b: {  	_ =	shalt  }
0x6c: {  	_ =	shalt  }
0x6d: {  	_ =	shalt  }
0x6e: {  	_ =	shalt  }
0x6f: {  	_ =	shalt  }
0x70: {  	_ =	shalt  }
0x71: {  	_ =	shalt  }
0x72: {  	_ =	shalt  }
0x73: {  	_ =	shalt  }
0x74: {  	_ =	shalt  }
0x75: {  	_ =	shalt  }
0x76: {  	_ =	shalt  }
0x77: {  	_ =	shalt  }
0x78: {  	_ =	shalt  }
0x79: {  	_ =	shalt  }
0x7a: {  	_ =	shalt  }
0x7b: {  	_ =	shalt  }
0x7c: {  	_ =	shalt  }
0x7d: {  	_ =	shalt  }
0x7e: {  	_ =	shalt  }
0x7f: {  	_ =	shalt  }
0x80: {  	_ =	shalt  }
0x81: {  	_ =	shalt  }
0x82: {  	_ =	shalt  }
0x83: {  	_ =	shalt  }
0x84: {  	_ =	shalt  }
0x85: {  	_ =	shalt  }
0x86: {  	_ =	shalt  }
0x87: {  	_ =	shalt  }
.Lfunc_end0:
.L_simem_size_0:
called_computation_lowered:
.L_overlay_start_0:
0x88: {  	s2 =	sld [smem:$0x3FD9]  }
0x89: {  	s3 =	sld [smem:$0x3FFE];
	_ =	sdelay $0x1  }
0x8a: {  	s1 =	srdreg.scid  }
0x8b: {  	s0 =	sand.u32 $0x1, s1  }
0x8c: {  	s17 =	sshll.u32 s0, $0xA;
	s2 =	sadd.s32 s3, s2  }
0x8d: {  	s2 =	sadd.s32 s2, s17  }
0x8e: {  	[smem:$0x3FC0] =	sst s2  }
0x8f: {  	_ = 	snop  }
0x90: {  	s2 =	sld [smem:$0x3FD0];
	(tm) =	ssettm $0x1  }
0x91: {  	s18 =	sld [smem:$0x3FFB];
	_ =	sdelay $0x3  }
0x92: {  	_ =	strace s18  }
0x93: {  	s3 =	sld [smem:$0x3FFC];
	_ =	sdelay $0x3  }
0x94: {  	_ =	strace s3  }
0x95: {  	s3 =	sld [smem:$0x3FFD];
	_ =	sdelay $0x3  }
0x96: {  	_ =	strace s3  }
0x97: {  	_ =	strace $0x8FFFFFFF  }
0x98: {  	s19 =	sld [smem:$0x3FDB];
	_ =	sdelay $0x1  }
0x99: {  	s4 =	simm.s32 $_scs_section_size  }
0x9a: {  	s5 =	simm.s32 $_size__tile_overlayer_lowered;
	s6 =	simm.s32 $_tile_overlayer_lowered  }
0x9b: {  	s22 =	simm.s32 $0x1BFF;
	s21 =	sshll.u32 s6, $0x1;
	s3 =	sadd.s32 s4, s19  }
0x9c: {  	s7 =	simm.s32 $0x0;
	s20 =	sshll.u32 s5, $0x1;
	s5 =	sadd.s32 s21, s3  }
0x9d: {  	[timem:s7], [sflag:s22] =	dma.local [hbm:s5], s20  }
0x9e: {  	_ =	swait.ge [sflag:s22], s20  }
0x9f: {  	s4 =	ssub.s32 $0x0, s20;
	[sflag:s22] =	ssyncset.done $0x0  }
0xa0: {  	[sflag:s22] =	ssyncadd.s32 s4;
	_ =	sdelay $0x1  }
0xa1: {  	s23 =	simm.s32 $0x1B8B  }
0xa2: {  	_ =	swait.ge [sflag:s23], $0x1  }
0xa3: {  	[sflag:s23] =	ssyncset.done $0x0  }
0xa4: {  	s25 =	simm.s32 $0x1B8E;
	s24 =	sld [smem:$0x3FFE];
	[sflag:s23] =	ssyncadd.s32 $0xFFFFFFFF  }
0xa5: {  	s26 =	simm.s32 $execute0_lowered;
	[smem:$0x3FD2] =	sst s25  }
0xa6: {  	s5 =	sshll.u32 s26, $0x1;
	_ =	strace $0x80000046;
	[dreg:$0x1] =	wrdreg $0xFFFFFFFF  }
0xa7: {  	s28 =	simm.s32 $_size_execute0_lowered;
	s3 =	sadd.s32 s3, s5;
	[dreg:$0x0] =	wrdreg $0x0  }
0xa8: {  	s5 =	sshll.u32 s28, $0x1;
	[dreg:$0x2] =	wrdreg s3  }
0xa9: {  	[dreg:$0x3] =	wrdreg s5  }
0xaa: {  	[dreg:$0x4] =	wrdreg $0xC0  }
0xab: {  	_ =	task [dreg:s7], $0x5FFFF  }
0xac: {  	[dreg:$0x1] =	wrdreg $0xFFFFFFFF  }
0xad: {  	[dreg:$0x0] =	wrdreg $0x60  }
0xae: {  	[dreg:$0x2] =	wrdreg s24  }
0xaf: {  	[dreg:$0x3] =	wrdreg s2  }
0xb0: {  	[dreg:$0x4] =	wrdreg $0x2C000  }
0xb1: {  	[dreg:$0x5] =	wrdreg $0x9  }
0xb2: {  	_ =	task.clear_ibuf [dreg:s7], $0x6FFFF;
	_ =	strace $0x90000046  }
0xb3: {  	s29 =	simm.s32 $0x9;
	_ =	strace $0x80000048  }
0xb4: {  	_ =	swait.ge [sflag:s29], $0x1  }
0xb5: {  	[sflag:s29] =	ssyncadd.s32 $0xFFFFFFFF  }
0xb6: {  	_ =	strace $0x90000048  }
0xb7: {  	_ =	sfence  }
0xb8: {  	s30 =	sld [smem:$0x0];
	_ =	sdelay $0x2  }
0xb9: {  	s31 =	sshll.u32 s1, $0xD;
	s1 =	sshrl.u32 s1, $0x2  }
0xba: {  	s3 =	sand.u32 $0x4000, s31;
	s1 =	sadd.s32 s1, s30  }
0xbb: {  	s0 =	sor.u32 s3, s0;
	s1 =	sshll.u32 s1, $0x11  }
0xbc: {  	s0 =	sor.u32 s1, s0  }
0xbd: {  	s0 =	sadd.s32 $0x8F2B, s0  }
0xbe: {  	[sflag:s0] =	ssyncadd.remote.s32 $0x1  }
0xbf: {  	_ =	sfence.sel $0xFFFF  }
0xc0: {  	[dreg:$0x0] =	wrdreg $0xFFFFFFFF;
	(pc) =	sbr.abs _section_cstart, $3  }
0xc1: {  	[dreg:$0x1] =	wrdreg $0xFFFFFFFF  }
0xc2: {  	_ =	task.clear_ibuf [dreg:s7], $0x2FFFF;
	_ =	strace $0x9FFFFFFF  }
0xc3: {  	(tm) =	ssettm $0x7FFFFFFF  }
tec
execute0_lowered:
.L_overlay_start_1:
0x0: {  	(tag) =	ssettag $0x1  }
0x1: {  	s6 =	rddreg [dreg:$0x0]  }
0x2: {  	s1 =	srdreg.scid;
	s2 =	rddreg [dreg:$0x1]  }
0x3: {  	s0 =	stileid.u32;
	s3 =	rddreg [dreg:$0x2]  }
0x4: {  	s4 =	simm.s32 $0x0;
	s13 =	simm.s32 $0x50;
	s14 =	simm.s32 $0x80  }
0x5: {  	s15 =	simm.s32 $0x100;
	s16 =	simm.s32 $0x180;
	s17 =	simm.s32 $0x200  }
0x6: {  	s18 =	simm.s32 $0x280;
	s19 =	simm.s32 $0x300;
	s7 =	smul.u32 $0x9000, s0  }
0x7: {  	s20 =	simm.s32 $0x380;
	s21 =	simm.s32 $0x0;
	s9 =	smul.u32 $0x14000, s0  }
0x8: {  	s5 =	sand.u32 $0x1, s1;
	s1 =	rddreg [dreg:$0x3];
	s28 =	smul.u32 $0x50000, s0  }
0x9: {  	[smem:$0x7FF] =	sst s4;
	s31 =	sshll.u32 s0, $0x6;
	s8 =	smul.u32 $0x4800, s5  }
0xa: {  	s24 =	smul.u32 $0x140000, s5;
	_ =	strace $0x80000047;
	s26 =	ssub.s32 $0x2, s5  }
0xb: {  	s5 =	sadd.s32 $0x14200, s6;
	s11 =	sshrl.u32 s26, $0x1;
	s30 =	sshrl.u32 s28, $0x2  }
0xc: {  	s7 =	sadd.s32 s8, s7;
	s25 =	sadd.s32 s9, s24;
	s29 =	ssub.s32 s26, s11  }
0xd: {  	s12 =	sadd.s32 s30, s3;
	s9 =	simm.s32 $0x400;
	s7 =	sshrl.u32 s7, $0x3  }
0xe: {  	s11 =	sor.u32 $0x1C01, s31;
	s10 =	sadd.s32 s7, s6;
	s7 =	sshrl.u32 s25, $0x3  }
0xf: {  	s12 =	sshrl.u32 s12, $0x3;
	s6 =	sadd.s32 s7, s6;
	s7 =	smax.u32 s29, $0x1  }
0x10: {  	s8 =	sadd.s32 $0x2200, s10;
	s10 =	simm.s32 $0x1;
	s6 =	sadd.s32 $0x14800, s6  }
.LBB2_1:
0x11: {  	[tilespmem:s9], [sflag:$0x1] =	stream.linear.gather [hbm4b:s5+s4], $0x2800, $0x38;
	[tilespmem:$0x16C00] =	vst v63  }
0x12: {  	_ =	swait.ge [sflag:s10], $0x2800  }
0x13: {  	[sflag:s10] =	ssyncset.done $0x0  }
0x14: {  	[sflag:s10] =	ssyncadd.s32 $0xFFFFD800  }
0x15: {  	[spmem:s12], [sflag:s11] =	dma.local [hbm:s2], $0x2800  }
0x16: {  	_ =	swait.ge [sflag:s10], $0x2800  }
0x17: {  	[sflag:s10] =	ssyncset.done $0x0  }
0x18: {  	[sflag:s10] =	ssyncadd.s32 $0xFFFFD800  }
0x19: {  	s22 =	sadd.s32 $0x0, s8;
	[bflag:$0x0] =	sbarrier.arrive $0xFFFF  }
0x1a: {  	[tilespmem:s4], [sflag:$0x1] =	stream.linear.gather [hbm4b:s22+s4], $0x400, $0x38;
	[tilespmem:$0x16C00] =	vst v63  }
0x1b: {  	_ =	swait.ge [sflag:s10], $0x400  }
0x1c: {  	[sflag:s10] =	ssyncset.done $0x0  }
0x1d: {  	[sflag:s10] =	ssyncadd.s32 $0xFFFFFC00  }
0x1e: {  	[spmem:s3] =	stream.indirect.scatter.add.f32 [tilespmem:s9], [sflag:$0x1], $0x80, s4, s13, $0xb8;
	[tilespmem:$0x16C00] =	vst v63  }
0x1f: {  	_ =	swait.ge [sflag:s10], $0x2800  }
0x20: {  	[sflag:s10] =	ssyncset.done $0x0  }
0x21: {  	[sflag:s10] =	ssyncadd.s32 $0xFFFFD800  }
0x22: {  	[spmem:s3] =	stream.indirect.scatter.add.f32 [tilespmem:s9], [sflag:$0x1], $0x80, s14, s13, $0xb8;
	[tilespmem:$0x16C00] =	vst v63  }
0x23: {  	_ =	swait.ge [sflag:s10], $0x2800  }
0x24: {  	[sflag:s10] =	ssyncset.done $0x0  }
0x25: {  	[sflag:s10] =	ssyncadd.s32 $0xFFFFD800  }
0x26: {  	[spmem:s3] =	stream.indirect.scatter.add.f32 [tilespmem:s9], [sflag:$0x1], $0x80, s15, s13, $0xb8;
	[tilespmem:$0x16C00] =	vst v63  }
0x27: {  	_ =	swait.ge [sflag:s10], $0x2800  }
0x28: {  	[sflag:s10] =	ssyncset.done $0x0  }
0x29: {  	[sflag:s10] =	ssyncadd.s32 $0xFFFFD800  }
0x2a: {  	[spmem:s3] =	stream.indirect.scatter.add.f32 [tilespmem:s9], [sflag:$0x1], $0x80, s16, s13, $0xb8;
	[tilespmem:$0x16C00] =	vst v63  }
0x2b: {  	_ =	swait.ge [sflag:s10], $0x2800  }
0x2c: {  	[sflag:s10] =	ssyncset.done $0x0  }
0x2d: {  	[sflag:s10] =	ssyncadd.s32 $0xFFFFD800  }
0x2e: {  	[spmem:s3] =	stream.indirect.scatter.add.f32 [tilespmem:s9], [sflag:$0x1], $0x80, s17, s13, $0xb8;
	[tilespmem:$0x16C00] =	vst v63  }
0x2f: {  	_ =	swait.ge [sflag:s10], $0x2800  }
0x30: {  	[sflag:s10] =	ssyncset.done $0x0  }
0x31: {  	[sflag:s10] =	ssyncadd.s32 $0xFFFFD800  }
0x32: {  	[spmem:s3] =	stream.indirect.scatter.add.f32 [tilespmem:s9], [sflag:$0x1], $0x80, s18, s13, $0xb8;
	[tilespmem:$0x16C00] =	vst v63  }
0x33: {  	_ =	swait.ge [sflag:s10], $0x2800  }
0x34: {  	[sflag:s10] =	ssyncset.done $0x0  }
0x35: {  	[sflag:s10] =	ssyncadd.s32 $0xFFFFD800  }
0x36: {  	[spmem:s3] =	stream.indirect.scatter.add.f32 [tilespmem:s9], [sflag:$0x1], $0x80, s19, s13, $0xb8;
	[tilespmem:$0x16C00] =	vst v63  }
0x37: {  	_ =	swait.ge [sflag:s10], $0x2800  }
0x38: {  	[sflag:s10] =	ssyncset.done $0x0  }
0x39: {  	[sflag:s10] =	ssyncadd.s32 $0xFFFFD800  }
0x3a: {  	[spmem:s3] =	stream.indirect.scatter.add.f32 [tilespmem:s9], [sflag:$0x1], $0x80, s20, s13, $0xb8;
	[tilespmem:$0x16C00] =	vst v63  }
0x3b: {  	_ =	swait.ge [sflag:s10], $0x2800  }
0x3c: {  	s24 =	simm.s32 $0x100;
	s22 =	simm.s32 $0x80;
	[sflag:s10] =	ssyncset.done $0x0  }
.LBB2_2:
0x3d: {  	s25 =	sadd.s32 s22, s8  }
0x3e: {  	[sflag:s10] =	ssyncadd.s32 $0xFFFFD800;
	s22 =	smov.u32 s24;
	s23 =	sadd.s32 $0x80, s24  }
0x3f: {  	[tilespmem:s4], [sflag:$0x1] =	stream.linear.gather [hbm4b:s25+s4], $0x400, $0x38;
	[tilespmem:$0x16C00] =	vst v63  }
0x40: {  	p0 =	sne.s32 s24, $0x780;
	_ =	swait.ge [sflag:s10], $0x400  }
0x41: {  	[sflag:s10] =	ssyncset.done $0x0  }
0x42: {  	[sflag:s10] =	ssyncadd.s32 $0xFFFFFC00  }
0x43: {  	[spmem:s3] =	stream.indirect.scatter.add.f32 [tilespmem:s9], [sflag:$0x1], $0x80, s4, s13, $0xb8;
	[tilespmem:$0x16C00] =	vst v63  }
0x44: {  	_ =	swait.ge [sflag:s10], $0x2800  }
0x45: {  	[sflag:s10] =	ssyncset.done $0x0  }
0x46: {  	[sflag:s10] =	ssyncadd.s32 $0xFFFFD800  }
0x47: {  	[spmem:s3] =	stream.indirect.scatter.add.f32 [tilespmem:s9], [sflag:$0x1], $0x80, s14, s13, $0xb8;
	[tilespmem:$0x16C00] =	vst v63  }
0x48: {  	_ =	swait.ge [sflag:s10], $0x2800  }
0x49: {  	[sflag:s10] =	ssyncset.done $0x0  }
0x4a: {  	[sflag:s10] =	ssyncadd.s32 $0xFFFFD800  }
0x4b: {  	[spmem:s3] =	stream.indirect.scatter.add.f32 [tilespmem:s9], [sflag:$0x1], $0x80, s15, s13, $0xb8;
	[tilespmem:$0x16C00] =	vst v63  }
0x4c: {  	_ =	swait.ge [sflag:s10], $0x2800  }
0x4d: {  	[sflag:s10] =	ssyncset.done $0x0  }
0x4e: {  	[sflag:s10] =	ssyncadd.s32 $0xFFFFD800  }
0x4f: {  	[spmem:s3] =	stream.indirect.scatter.add.f32 [tilespmem:s9], [sflag:$0x1], $0x80, s16, s13, $0xb8;
	[tilespmem:$0x16C00] =	vst v63  }
0x50: {  	_ =	swait.ge [sflag:s10], $0x2800  }
0x51: {  	[sflag:s10] =	ssyncset.done $0x0  }
0x52: {  	[sflag:s10] =	ssyncadd.s32 $0xFFFFD800  }
0x53: {  	[spmem:s3] =	stream.indirect.scatter.add.f32 [tilespmem:s9], [sflag:$0x1], $0x80, s17, s13, $0xb8;
	[tilespmem:$0x16C00] =	vst v63  }
0x54: {  	_ =	swait.ge [sflag:s10], $0x2800  }
0x55: {  	[sflag:s10] =	ssyncset.done $0x0  }
0x56: {  	[sflag:s10] =	ssyncadd.s32 $0xFFFFD800  }
0x57: {  	[spmem:s3] =	stream.indirect.scatter.add.f32 [tilespmem:s9], [sflag:$0x1], $0x80, s18, s13, $0xb8;
	[tilespmem:$0x16C00] =	vst v63  }
0x58: {  	_ =	swait.ge [sflag:s10], $0x2800  }
0x59: {  	[sflag:s10] =	ssyncset.done $0x0  }
0x5a: {  	[sflag:s10] =	ssyncadd.s32 $0xFFFFD800  }
0x5b: {  	[spmem:s3] =	stream.indirect.scatter.add.f32 [tilespmem:s9], [sflag:$0x1], $0x80, s19, s13, $0xb8;
	[tilespmem:$0x16C00] =	vst v63  }
0x5c: {  	_ =	swait.ge [sflag:s10], $0x2800  }
.Ltmp0:
0x5d: {  	[sflag:s10] =	ssyncset.done $0x0;
	(pc) =	sbr.rel @p0 .LBB2_2-.Ltmp0, $4  }
0x5e: {  	[sflag:s10] =	ssyncadd.s32 $0xFFFFD800  }
0x5f: {  	[spmem:s3] =	stream.indirect.scatter.add.f32 [tilespmem:s9], [sflag:$0x1], $0x80, s20, s13, $0xb8;
	[tilespmem:$0x16C00] =	vst v63  }
0x60: {  	_ =	swait.ge [sflag:s10], $0x2800  }
0x61: {  	s24 =	smov.u32 s23;
	[sflag:s10] =	ssyncset.done $0x0  }
0x62: {  	s22 =	sadd.s32 s22, s8;
	[sflag:s10] =	ssyncadd.s32 $0xFFFFD800  }
0x63: {  	[tilespmem:s4], [sflag:$0x1] =	stream.linear.gather [hbm4b:s22+s4], $0x400, $0x38;
	[tilespmem:$0x16C00] =	vst v63  }
0x64: {  	_ =	swait.ge [sflag:s10], $0x400  }
0x65: {  	[sflag:s10] =	ssyncset.done $0x0  }
0x66: {  	[sflag:s10] =	ssyncadd.s32 $0xFFFFFC00  }
0x67: {  	[spmem:s3] =	stream.indirect.scatter.add.f32 [tilespmem:s9], [sflag:$0x1], $0x80, s4, s13, $0xb8;
	[tilespmem:$0x16C00] =	vst v63  }
0x68: {  	_ =	swait.ge [sflag:s10], $0x2800  }
0x69: {  	[sflag:s10] =	ssyncset.done $0x0  }
0x6a: {  	[sflag:s10] =	ssyncadd.s32 $0xFFFFD800  }
0x6b: {  	[spmem:s3] =	stream.indirect.scatter.add.f32 [tilespmem:s9], [sflag:$0x1], $0x80, s14, s13, $0xb8;
	[tilespmem:$0x16C00] =	vst v63  }
0x6c: {  	_ =	swait.ge [sflag:s10], $0x2800  }
0x6d: {  	[sflag:s10] =	ssyncset.done $0x0  }
0x6e: {  	[sflag:s10] =	ssyncadd.s32 $0xFFFFD800  }
0x6f: {  	[spmem:s3] =	stream.indirect.scatter.add.f32 [tilespmem:s9], [sflag:$0x1], $0x80, s15, s13, $0xb8;
	[tilespmem:$0x16C00] =	vst v63  }
0x70: {  	_ =	swait.ge [sflag:s10], $0x2800  }
0x71: {  	[sflag:s10] =	ssyncset.done $0x0  }
0x72: {  	[sflag:s10] =	ssyncadd.s32 $0xFFFFD800  }
0x73: {  	[spmem:s3] =	stream.indirect.scatter.add.f32 [tilespmem:s9], [sflag:$0x1], $0x80, s16, s13, $0xb8;
	[tilespmem:$0x16C00] =	vst v63  }
0x74: {  	_ =	swait.ge [sflag:s10], $0x2800  }
0x75: {  	[sflag:s10] =	ssyncset.done $0x0  }
0x76: {  	[sflag:s10] =	ssyncadd.s32 $0xFFFFD800  }
0x77: {  	[spmem:s3] =	stream.indirect.scatter.add.f32 [tilespmem:s9], [sflag:$0x1], $0x80, s17, s13, $0xb8;
	[tilespmem:$0x16C00] =	vst v63  }
0x78: {  	_ =	swait.ge [sflag:s10], $0x2800  }
0x79: {  	[sflag:s10] =	ssyncset.done $0x0  }
0x7a: {  	[sflag:s10] =	ssyncadd.s32 $0xFFFFD800  }
0x7b: {  	[spmem:s3] =	stream.indirect.scatter.add.f32 [tilespmem:s9], [sflag:$0x1], $0x80, s18, s13, $0xb8;
	[tilespmem:$0x16C00] =	vst v63  }
0x7c: {  	_ =	swait.ge [sflag:s10], $0x2800  }
0x7d: {  	[sflag:s10] =	ssyncset.done $0x0  }
0x7e: {  	[sflag:s10] =	ssyncadd.s32 $0xFFFFD800  }
0x7f: {  	[spmem:s3] =	stream.indirect.scatter.add.f32 [tilespmem:s9], [sflag:$0x1], $0x80, s19, s13, $0xb8;
	[tilespmem:$0x16C00] =	vst v63  }
0x80: {  	_ =	swait.ge [sflag:s10], $0x2800  }
0x81: {  	[sflag:s10] =	ssyncset.done $0x0  }
0x82: {  	[sflag:s10] =	ssyncadd.s32 $0xFFFFD800  }
0x83: {  	[spmem:s3] =	stream.indirect.scatter.add.f32 [tilespmem:s9], [sflag:$0x1], $0x80, s20, s13, $0xb8;
	[tilespmem:$0x16C00] =	vst v63  }
0x84: {  	_ =	swait.ge [sflag:s10], $0x2800  }
0x85: {  	s21 =	sadd.s32 $0x1, s21;
	[sflag:s10] =	ssyncset.done $0x0  }
0x86: {  	p0 =	sne.s32 s21, s7;
	[sflag:s10] =	ssyncadd.s32 $0xFFFFD800  }
.Ltmp1:
0x87: {  	[bflag:$0x0] =	sbarrier.arrive $0xFFFF;
	(pc) =	sbr.rel @p0 .LBB2_1-.Ltmp1, $4  }
0x88: {  	[hbm:s6], [sflag:s11] =	dma.local [spmem:s12], $0x2800  }
0x89: {  	_ =	swait.ge [sflag:s10], $0x2800  }
0x8a: {  	[sflag:s10] =	ssyncset.done $0x0  }
0x8b: {  	[sflag:s10] =	ssyncadd.s32 $0xFFFFD800  }
0x8c: {  	_ =	sfence.sel $0x180000  }
0x8d: {  	[bflag:$0x0] =	sbarrier.arrive $0xFFFF  }
0x8e: {  	p0 =	sne.s32 s0, $0x0;
	_ =	strace $0x90000047  }
0x8f: {  	s0 =	sadd.s32 @!p0 $0x100000, s1;
	[bflag:$0x2] =	sbarrier.arrive $0xFFFF  }
0x90: {  	[sflag:s0] =	ssyncadd.tile.s32 @!p0 $0x1;
	_ =	shalt  }
.Lfunc_end2:
_tile_overlayer_lowered:
.L_overlay_start_2:
0x91: {  	(tag) =	ssettag $0x2  }
0x92: {  	s0 =	rddreg [dreg:$0x0];
	s2 =	stileid.u32  }
0x93: {  	s1 =	rddreg [dreg:$0x1];
	p0 =	sne.s32 s2, $0x0  }
0x94: {  	s3 =	rddreg [dreg:$0x2];
	[bflag:$0x3] =	sbarrier.arrive $0xFFFF;
	s2 =	simm.s32 @!p0 $0x1C01  }
0x95: {  	[timem:s3], [sflag:s2] =	dma.local @!p0 [hbm:s0], s1  }
0x96: {  	s0 =	simm.s32 @!p0 $0x1  }
0x97: {  	_ =	swait.ge @!p0 [sflag:s0], s1  }
0x98: {  	s1 =	ssub.s32 @!p0 $0x0, s1;
	[sflag:s0] =	ssyncset.done @!p0 $0x0  }
0x99: {  	[sflag:s0] =	ssyncadd.s32 @!p0 s1  }
0x9a: {  	[bflag:$0x3] =	sbarrier.arrive $0xFFFF  }
0x9b: {  	_ =	shalt  }

// kernel: kernel.9.cloned.1.call-start
scs
__scs_entry_jumppad:
0x0: {  	(pc) =	sbr.rel $0x88, $3  }
0x1: {  	(tag) =	ssettag $0x0;
	lr =	simm.s32 $0x1  }
0x2: {  	[smem:$0x3F99] =	sst lr;
	_ =	strace $0xD0000000  }
0x3: {  	_ = 	snop  }
0x4: {  	_ = 	snop  }
0x5: {  	_ = 	snop  }
0x6: {  	_ = 	snop  }
0x7: {  	_ = 	snop  }
__scs_overlays_trampoline_lowered:
0x8: {  	[smem:$0x3FA8] =	sst s0  }
0x9: {  	[smem:$0x3FA9] =	sst s1  }
0xa: {  	[smem:$0x3FAA] =	sst s2  }
0xb: {  	[smem:$0x3FAB] =	sst s3  }
0xc: {  	[smem:$0x3FAC] =	sst s4  }
0xd: {  	[smem:$0x3FAD] =	sst s5  }
0xe: {  	[smem:$0x3FAE] =	sst s6  }
0xf: {  	[smem:$0x3FAF] =	sst s7  }
0x10: {  	[smem:$0x3FB0] =	sst s8  }
0x11: {  	[smem:$0x3FB1] =	sst s9;
	s0 =	simm.s32 @!p0 $0x0  }
0x12: {  	s1 =	sld [smem:$0x3F97];
	s0 =	simm.s32 @p0 $0x1  }
0x13: {  	[smem:$0x3FB2] =	sst s0;
	s0 =	simm.s32 @!p1 $0x0  }
0x14: {  	s2 =	sld [smem:$0x3F96];
	s0 =	simm.s32 @p1 $0x1  }
0x15: {  	[smem:$0x3FB3] =	sst s0;
	s0 =	simm.s32 @!p2 $0x0  }
0x16: {  	s3 =	sld [smem:$0x3FDB];
	s0 =	simm.s32 @p2 $0x1  }
0x17: {  	s4 =	simm.s32 $0x1BF5;
	[smem:$0x3FB5] =	sst s0  }
0x18: {  	s0 =	sld [smem:$0x3F98];
	_ =	swait.ge [sflag:s4], $0x0  }
0x19: {  	s7 =	sld [smem:$0x3F99]  }
0x1a: {  	s8 =	sadd.s32 $0xFFFFE003, lr  }
0x1b: {  	s9 =	sadd.s32 $0xFFFFFEF7, lr;
	s5 =	simm.s32 $0xFFFFFFFF;
	p2 =	slt.u32 s8, $0xFFFFF086  }
0x1c: {  	p1 =	slt.u32 s9, $0xF7A;
	s5 =	simm.s32 @!p2 $0x0  }
0x1d: {  	s5 =	simm.s32 @p1 $0x1;
	p0 =	seq.s32 s7, s2  }
0x1e: {  	s7 =	smul.u32 @!p0 $0xF7A, s2;
	p2 =	seq.s32 @!p0 s5, $0x0  }
0x1f: {  	s9 =	smul.u32 $0xF7A, s1;
	s8 =	simm.s32 @!p0 $0x1BF5;
	p2 =	por !p2, p0  }
0x20: {  	[sflag:s8] =	ssyncset.s32 @!p0 $0xFFFFF086;
	s6 =	sadd.s32 @!p0 s3, s7;
	s7 =	simm.s32 @!p0 $0x108  }
0x21: {  	s3 =	sadd.s32 s3, s9;
	s6 =	sadd.s32 @!p0 $0x88, s6;
	s7 =	simm.s32 @p2 $0x1082  }
0x22: {  	[simem:s7], [sflag:s8] =	dma.local @!p0 [hbm:s6], $0xF7A  }
0x23: {  	s9 =	sor.u32 $0xD0000000, s2;
	s6 =	simm.s32 $0x108;
	_ =	swait.ge @!p0 [sflag:s8], $0x0  }
0x24: {  	s3 =	sadd.s32 $0x88, s3;
	s6 =	simm.s32 @!p1 $0x1082;
	[sflag:s4] =	ssyncset.s32 $0xFFFFF086  }
0x25: {  	[simem:s6], [sflag:s4] =	dma.local [hbm:s3], $0xF7A  }
0x26: {  	[smem:$0x3F99] =	sst s1;
	(tag) =	ssettag s2;
	_ =	strace s9  }
0x27: {  	s1 =	sld [smem:$0x3FA9]  }
0x28: {  	s2 =	sld [smem:$0x3FAA]  }
0x29: {  	s4 =	sld [smem:$0x3FAC]  }
0x2a: {  	p0 =	seq.s32 s5, $0x0;
	s5 =	sld [smem:$0x3FAD]  }
0x2b: {  	s6 =	sld [smem:$0x3FAE]  }
0x2c: {  	s7 =	sld [smem:$0x3FAF]  }
0x2d: {  	s3 =	simm.s32 $0x108;
	s8 =	sld [smem:$0x3FB0]  }
0x2e: {  	s3 =	simm.s32 @!p0 $0x1082;
	s9 =	sld [smem:$0x3FB1]  }
0x2f: {  	lr =	sadd.s32 s0, s3;
	s0 =	sld [smem:$0x3FA8]  }
0x30: {  	s3 =	sld [smem:$0x3FAB]  }
0x31: {  	[smem:$0x3FB4] =	sst s10  }
0x32: {  	s10 =	sld [smem:$0x3FB2];
	_ =	sdelay $0x3  }
0x33: {  	p0 =	seq.s32 s10, $0x1;
	s10 =	sld [smem:$0x3FB4];
	_ =	sdelay $0x3  }
0x34: {  	[smem:$0x3FB4] =	sst s10  }
0x35: {  	s10 =	sld [smem:$0x3FB3];
	_ =	sdelay $0x3  }
0x36: {  	p1 =	seq.s32 s10, $0x1;
	s10 =	sld [smem:$0x3FB4];
	_ =	sdelay $0x3  }
0x37: {  	[smem:$0x3FB4] =	sst s10  }
0x38: {  	s10 =	sld [smem:$0x3FB5]  }
0x39: {  	_ = 	snop;
	(pc) =	sbr.ind lr, $3  }
0x3a: {  	_ = 	snop  }
0x3b: {  	_ = 	snop  }
0x3c: {  	p2 =	seq.s32 s10, $0x1;
	s10 =	sld [smem:$0x3FB4]  }
0x3d: {  	_ =	shalt  }
0x3e: {  	_ =	shalt  }
0x3f: {  	_ =	shalt  }
0x40: {  	_ =	shalt  }
0x41: {  	_ =	shalt  }
0x42: {  	_ =	shalt  }
0x43: {  	_ =	shalt  }
0x44: {  	_ =	shalt  }
0x45: {  	_ =	shalt  }
0x46: {  	_ =	shalt  }
0x47: {  	_ =	shalt  }
0x48: {  	_ =	shalt  }
0x49: {  	_ =	shalt  }
0x4a: {  	_ =	shalt  }
0x4b: {  	_ =	shalt  }
0x4c: {  	_ =	shalt  }
0x4d: {  	_ =	shalt  }
0x4e: {  	_ =	shalt  }
0x4f: {  	_ =	shalt  }
0x50: {  	_ =	shalt  }
0x51: {  	_ =	shalt  }
0x52: {  	_ =	shalt  }
0x53: {  	_ =	shalt  }
0x54: {  	_ =	shalt  }
0x55: {  	_ =	shalt  }
0x56: {  	_ =	shalt  }
0x57: {  	_ =	shalt  }
0x58: {  	_ =	shalt  }
0x59: {  	_ =	shalt  }
0x5a: {  	_ =	shalt  }
0x5b: {  	_ =	shalt  }
0x5c: {  	_ =	shalt  }
0x5d: {  	_ =	shalt  }
0x5e: {  	_ =	shalt  }
0x5f: {  	_ =	shalt  }
0x60: {  	_ =	shalt  }
0x61: {  	_ =	shalt  }
0x62: {  	_ =	shalt  }
0x63: {  	_ =	shalt  }
0x64: {  	_ =	shalt  }
0x65: {  	_ =	shalt  }
0x66: {  	_ =	shalt  }
0x67: {  	_ =	shalt  }
0x68: {  	_ =	shalt  }
0x69: {  	_ =	shalt  }
0x6a: {  	_ =	shalt  }
0x6b: {  	_ =	shalt  }
0x6c: {  	_ =	shalt  }
0x6d: {  	_ =	shalt  }
0x6e: {  	_ =	shalt  }
0x6f: {  	_ =	shalt  }
0x70: {  	_ =	shalt  }
0x71: {  	_ =	shalt  }
0x72: {  	_ =	shalt  }
0x73: {  	_ =	shalt  }
0x74: {  	_ =	shalt  }
0x75: {  	_ =	shalt  }
0x76: {  	_ =	shalt  }
0x77: {  	_ =	shalt  }
0x78: {  	_ =	shalt  }
0x79: {  	_ =	shalt  }
0x7a: {  	_ =	shalt  }
0x7b: {  	_ =	shalt  }
0x7c: {  	_ =	shalt  }
0x7d: {  	_ =	shalt  }
0x7e: {  	_ =	shalt  }
0x7f: {  	_ =	shalt  }
0x80: {  	_ =	shalt  }
0x81: {  	_ =	shalt  }
0x82: {  	_ =	shalt  }
0x83: {  	_ =	shalt  }
0x84: {  	_ =	shalt  }
0x85: {  	_ =	shalt  }
0x86: {  	_ =	shalt  }
0x87: {  	_ =	shalt  }
.Lfunc_end0:
.L_simem_size_0:
called_computation.1_lowered:
.L_overlay_start_0:
0x88: {  	s2 =	sld [smem:$0x3FD9]  }
0x89: {  	s3 =	sld [smem:$0x3FFE];
	_ =	sdelay $0x1  }
0x8a: {  	s1 =	srdreg.scid  }
0x8b: {  	s0 =	sand.u32 $0x1, s1  }
0x8c: {  	s17 =	sshll.u32 s0, $0xA;
	s2 =	sadd.s32 s3, s2  }
0x8d: {  	s2 =	sadd.s32 s2, s17  }
0x8e: {  	[smem:$0x3FC0] =	sst s2  }
0x8f: {  	_ = 	snop  }
0x90: {  	s2 =	sld [smem:$0x3FD0];
	(tm) =	ssettm $0x1  }
0x91: {  	s18 =	sld [smem:$0x3FFB];
	_ =	sdelay $0x3  }
0x92: {  	_ =	strace s18  }
0x93: {  	s3 =	sld [smem:$0x3FFC];
	_ =	sdelay $0x3  }
0x94: {  	_ =	strace s3  }
0x95: {  	s3 =	sld [smem:$0x3FFD];
	_ =	sdelay $0x3  }
0x96: {  	_ =	strace s3  }
0x97: {  	_ =	strace $0x8FFFFFFF  }
0x98: {  	s19 =	sld [smem:$0x3FDB];
	_ =	sdelay $0x1  }
0x99: {  	s4 =	simm.s32 $_scs_section_size  }
0x9a: {  	s5 =	simm.s32 $_size__tile_overlayer_lowered;
	s6 =	simm.s32 $_tile_overlayer_lowered  }
0x9b: {  	s22 =	simm.s32 $0x1BFF;
	s21 =	sshll.u32 s6, $0x1;
	s3 =	sadd.s32 s4, s19  }
0x9c: {  	s7 =	simm.s32 $0x0;
	s20 =	sshll.u32 s5, $0x1;
	s5 =	sadd.s32 s21, s3  }
0x9d: {  	[timem:s7], [sflag:s22] =	dma.local [hbm:s5], s20  }
0x9e: {  	_ =	swait.ge [sflag:s22], s20  }
0x9f: {  	s4 =	ssub.s32 $0x0, s20;
	[sflag:s22] =	ssyncset.done $0x0  }
0xa0: {  	[sflag:s22] =	ssyncadd.s32 s4;
	_ =	sdelay $0x1  }
0xa1: {  	s23 =	simm.s32 $0x1B8B  }
0xa2: {  	_ =	swait.ge [sflag:s23], $0x1  }
0xa3: {  	[sflag:s23] =	ssyncset.done $0x0  }
0xa4: {  	s25 =	simm.s32 $0x1B8E;
	s24 =	sld [smem:$0x3FFE];
	[sflag:s23] =	ssyncadd.s32 $0xFFFFFFFF  }
0xa5: {  	s26 =	simm.s32 $execute0_lowered;
	[smem:$0x3FD2] =	sst s25  }
0xa6: {  	s5 =	sshll.u32 s26, $0x1;
	_ =	strace $0x80000049;
	[dreg:$0x1] =	wrdreg $0xFFFFFFFF  }
0xa7: {  	s28 =	simm.s32 $_size_execute0_lowered;
	s3 =	sadd.s32 s3, s5;
	[dreg:$0x0] =	wrdreg $0x0  }
0xa8: {  	s5 =	sshll.u32 s28, $0x1;
	[dreg:$0x2] =	wrdreg s3  }
0xa9: {  	[dreg:$0x3] =	wrdreg s5  }
0xaa: {  	[dreg:$0x4] =	wrdreg $0xC0  }
0xab: {  	_ =	task [dreg:s7], $0x5FFFF  }
0xac: {  	[dreg:$0x1] =	wrdreg $0xFFFFFFFF  }
0xad: {  	[dreg:$0x0] =	wrdreg $0x60  }
0xae: {  	[dreg:$0x2] =	wrdreg s24  }
0xaf: {  	[dreg:$0x3] =	wrdreg s2  }
0xb0: {  	[dreg:$0x4] =	wrdreg $0x60000  }
0xb1: {  	[dreg:$0x5] =	wrdreg $0x9  }
0xb2: {  	_ =	task.clear_ibuf [dreg:s7], $0x6FFFF;
	_ =	strace $0x90000049  }
0xb3: {  	s29 =	simm.s32 $0x9;
	_ =	strace $0x8000004B  }
0xb4: {  	_ =	swait.ge [sflag:s29], $0x1  }
0xb5: {  	[sflag:s29] =	ssyncadd.s32 $0xFFFFFFFF  }
0xb6: {  	_ =	strace $0x9000004B  }
0xb7: {  	_ =	sfence  }
0xb8: {  	s30 =	sld [smem:$0x0];
	_ =	sdelay $0x2  }
0xb9: {  	s31 =	sshll.u32 s1, $0xD;
	s1 =	sshrl.u32 s1, $0x2  }
0xba: {  	s3 =	sand.u32 $0x4000, s31;
	s1 =	sadd.s32 s1, s30  }
0xbb: {  	s0 =	sor.u32 s3, s0;
	s1 =	sshll.u32 s1, $0x11  }
0xbc: {  	s0 =	sor.u32 s1, s0  }
0xbd: {  	s0 =	sadd.s32 $0x8F2B, s0  }
0xbe: {  	[sflag:s0] =	ssyncadd.remote.s32 $0x1  }
0xbf: {  	_ =	sfence.sel $0xFFFF  }
0xc0: {  	[dreg:$0x0] =	wrdreg $0xFFFFFFFF;
	(pc) =	sbr.abs _section_cstart, $3  }
0xc1: {  	[dreg:$0x1] =	wrdreg $0xFFFFFFFF  }
0xc2: {  	_ =	task.clear_ibuf [dreg:s7], $0x2FFFF;
	_ =	strace $0x9FFFFFFF  }
0xc3: {  	(tm) =	ssettm $0x7FFFFFFF  }
tec
execute0_lowered:
.L_overlay_start_1:
0x0: {  	(tag) =	ssettag $0x1  }
0x1: {  	s0 =	rddreg [dreg:$0x0];
	s1 =	srdreg.scid  }
0x2: {  	s10 =	stileid.u32;
	s3 =	rddreg [dreg:$0x2]  }
0x3: {  	s4 =	simm.s32 $0x0;
	s11 =	simm.s32 $0x80;
	s12 =	simm.s32 $0x100  }
0x4: {  	s13 =	simm.s32 $0x480;
	s14 =	simm.s32 $0x180;
	s16 =	simm.s32 $0x500  }
0x5: {  	s17 =	simm.s32 $0x200;
	s18 =	simm.s32 $0x580;
	[smem:$0x7FF] =	sst s4  }
0x6: {  	s19 =	simm.s32 $0x280;
	_ =	strace $0x8000004A;
	[dreg:$0x8] =	wrdreg s11  }
0x7: {  	s20 =	simm.s32 $0x600;
	s21 =	simm.s32 $0x300;
	[dreg:$0x9] =	wrdreg s12  }
0x8: {  	s28 =	simm.s32 $0xB00;
	s29 =	simm.s32 $0xE80;
	[dreg:$0xa] =	wrdreg s13  }
0x9: {  	s30 =	simm.s32 $0xB80;
	s31 =	simm.s32 $0xF00;
	[dreg:$0xb] =	wrdreg s14  }
0xa: {  	s1 =	sand.u32 $0x1, s1;
	s5 =	smul.u32 $0x9000, s10;
	[dreg:$0xc] =	wrdreg s16  }
0xb: {  	s7 =	smul.u32 $0x14000, s10;
	s8 =	sadd.s32 $0x2200, s0;
	[dreg:$0xd] =	wrdreg s17  }
0xc: {  	s9 =	sadd.s32 $0x64800, s0;
	s2 =	smul.u32 $0x140000, s1;
	[dreg:$0xe] =	wrdreg s18  }
0xd: {  	s15 =	sshll.u32 s10, $0x6;
	s6 =	smul.u32 $0x4800, s1;
	[dreg:$0xf] =	wrdreg s19  }
0xe: {  	s1 =	ssub.s32 $0x2, s1;
	[dreg:$0x10] =	wrdreg s20;
	s11 =	simm.s32 $0x400  }
0xf: {  	[dreg:$0x11] =	wrdreg s21;
	s12 =	simm.s32 $0x50;
	s13 =	simm.s32 $0x1000  }
0x10: {  	s14 =	simm.s32 $0x3800;
	s16 =	simm.s32 $0x2;
	s17 =	simm.s32 $0x800  }
0x11: {  	s18 =	simm.s32 $0xC00;
	s19 =	simm.s32 $0x900;
	s20 =	simm.s32 $0xC80  }
0x12: {  	s21 =	simm.s32 $0x980;
	s26 =	sshrl.u32 s1, $0x1;
	s6 =	sadd.s32 s6, s5  }
0x13: {  	s5 =	sadd.s32 $0x14200, s0;
	s2 =	sadd.s32 s7, s2;
	s1 =	ssub.s32 s1, s26  }
0x14: {  	s26 =	simm.s32 $0x880;
	s22 =	sor.u32 $0x400, s6;
	s2 =	sshrl.u32 s2, $0x3  }
0x15: {  	s6 =	sshrl.u32 s6, $0x3;
	s1 =	smax.u32 s1, $0x1;
	[dreg:$0x16] =	wrdreg s26  }
0x16: {  	s26 =	simm.s32 $0xE00;
	s7 =	sshrl.u32 s22, $0x3;
	s0 =	sadd.s32 s2, s0  }
0x17: {  	s25 =	sadd.s32 s6, s8;
	[dreg:$0x18] =	wrdreg s1;
	s22 =	simm.s32 $0x680  }
0x18: {  	s1 =	simm.s32 $0xF80;
	s23 =	sadd.s32 s7, s8;
	[dreg:$0x6] =	wrdreg s25  }
0x19: {  	s24 =	sadd.s32 s7, s9;
	s8 =	sadd.s32 s6, s9;
	[dreg:$0x12] =	wrdreg s22  }
0x1a: {  	s9 =	smul.u32 $0x50000, s10;
	s7 =	sor.u32 $0x1C03, s15;
	[dreg:$0x4] =	wrdreg s23  }
0x1b: {  	s0 =	sadd.s32 $0x76800, s0;
	s10 =	simm.s32 $0x3;
	[dreg:$0x5] =	wrdreg s24  }
0x1c: {  	s25 =	simm.s32 $0x780;
	s15 =	simm.s32 $0x1;
	[dreg:$0x7] =	wrdreg s8  }
0x1d: {  	s22 =	simm.s32 $0xD00;
	[dreg:$0x17] =	wrdreg s0;
	s23 =	simm.s32 $0x380  }
0x1e: {  	s24 =	simm.s32 $0x700;
	[dreg:$0x15] =	wrdreg s25;
	s6 =	sshrl.u32 s9, $0x2  }
0x1f: {  	s25 =	simm.s32 $0xA80;
	[dreg:$0x13] =	wrdreg s23;
	s6 =	sadd.s32 s6, s3  }
0x20: {  	s0 =	simm.s32 $0x0;
	[dreg:$0x14] =	wrdreg s24;
	s6 =	sshrl.u32 s6, $0x3  }
0x21: {  	s23 =	simm.s32 $0xA00;
	s24 =	simm.s32 $0xD80;
	[dreg:$0x19] =	wrdreg s6  }
.LBB2_1:
0x22: {  	s2 =	rddreg [dreg:$0x1]  }
0x23: {  	[spmem:s6], [sflag:s7] =	dma.local [hbm:s2], $0x2800  }
0x24: {  	_ =	swait.ge [sflag:s10], $0x2800  }
0x25: {  	[sflag:s10] =	ssyncset.done $0x0  }
0x26: {  	[sflag:s10] =	ssyncadd.s32 $0xFFFFD800  }
0x27: {  	[bflag:$0x0] =	sbarrier.arrive $0xFFFF  }
0x28: {  	s8 =	rddreg [dreg:$0x7]  }
0x29: {  	s2 =	sadd.s32 $0x0, s8  }
0x2a: {  	[tilespmem:s4], [sflag:$0x3] =	stream.linear.gather [hbm4b:s2+s4], $0x400, $0x38;
	[tilespmem:$0x1A000] =	vst v63  }
0x2b: {  	_ =	swait.ge [sflag:s10], $0x400  }
0x2c: {  	s6 =	rddreg [dreg:$0x6];
	[sflag:s10] =	ssyncset.done $0x0  }
0x2d: {  	[sflag:s10] =	ssyncadd.s32 $0xFFFFFC00;
	s2 =	sadd.s32 $0x0, s6  }
0x2e: {  	[tilespmem:s11], [sflag:$0x3] =	stream.linear.gather [hbm4b:s2+s4], $0x400, $0x38;
	[tilespmem:$0x1A000] =	vst v63  }
0x2f: {  	_ =	swait.ge [sflag:s10], $0x400  }
0x30: {  	[sflag:s10] =	ssyncset.done $0x0  }
0x31: {  	[sflag:s10] =	ssyncadd.s32 $0xFFFFFC00  }
0x32: {  	[tilespmem:s13], [sflag:$0x1] =	stream.indirect.gather [hbm4b:s5+s12], $0x80, s4, s12, $0xb8;
	[tilespmem:$0x1A000] =	vst v63  }
0x33: {  	s9 =	smov.u32 s7;
	s7 =	rddreg [dreg:$0x8]  }
0x34: {  	[tilespmem:s14], [sflag:$0x2] =	stream.indirect.gather [hbm4b:s5+s12], $0x80, s7, s12, $0xb8;
	[tilespmem:$0x1A000] =	vst v63  }
0x35: {  	_ =	swait.ge [sflag:s15], $0x2800  }
0x36: {  	[sflag:s15] =	ssyncset.done $0x0  }
0x37: {  	[sflag:s15] =	ssyncadd.s32 $0xFFFFD800  }
0x38: {  	[spmem:s3] =	stream.indirect.scatter.add.f32 [tilespmem:s13], [sflag:$0x3], $0x80, s11, s12, $0xb8;
	[tilespmem:$0x1A000] =	vst v63  }
0x39: {  	_ =	swait.ge [sflag:s10], $0x2800  }
0x3a: {  	[sflag:s10] =	ssyncset.done $0x0  }
0x3b: {  	s8 =	rddreg [dreg:$0x9];
	[sflag:s10] =	ssyncadd.s32 $0xFFFFD800  }
0x3c: {  	[tilespmem:s13], [sflag:$0x1] =	stream.indirect.gather [hbm4b:s5+s12], $0x80, s8, s12, $0xb8;
	[tilespmem:$0x1A000] =	vst v63  }
0x3d: {  	_ =	swait.ge [sflag:s16], $0x2800  }
0x3e: {  	[sflag:s16] =	ssyncset.done $0x0  }
0x3f: {  	s6 =	rddreg [dreg:$0xa];
	[sflag:s16] =	ssyncadd.s32 $0xFFFFD800  }
0x40: {  	[spmem:s3] =	stream.indirect.scatter.add.f32 [tilespmem:s14], [sflag:$0x3], $0x80, s6, s12, $0xb8;
	[tilespmem:$0x1A000] =	vst v63  }
0x41: {  	_ =	swait.ge [sflag:s10], $0x2800  }
0x42: {  	[sflag:s10] =	ssyncset.done $0x0  }
0x43: {  	s7 =	rddreg [dreg:$0xb];
	[sflag:s10] =	ssyncadd.s32 $0xFFFFD800  }
0x44: {  	[tilespmem:s14], [sflag:$0x2] =	stream.indirect.gather [hbm4b:s5+s12], $0x80, s7, s12, $0xb8;
	[tilespmem:$0x1A000] =	vst v63  }
0x45: {  	_ =	swait.ge [sflag:s15], $0x2800  }
0x46: {  	[sflag:s15] =	ssyncset.done $0x0  }
0x47: {  	s8 =	rddreg [dreg:$0xc];
	[sflag:s15] =	ssyncadd.s32 $0xFFFFD800  }
0x48: {  	[spmem:s3] =	stream.indirect.scatter.add.f32 [tilespmem:s13], [sflag:$0x3], $0x80, s8, s12, $0xb8;
	[tilespmem:$0x1A000] =	vst v63  }
0x49: {  	_ =	swait.ge [sflag:s10], $0x2800  }
0x4a: {  	[sflag:s10] =	ssyncset.done $0x0  }
0x4b: {  	s6 =	rddreg [dreg:$0xd];
	[sflag:s10] =	ssyncadd.s32 $0xFFFFD800  }
0x4c: {  	[tilespmem:s13], [sflag:$0x1] =	stream.indirect.gather [hbm4b:s5+s12], $0x80, s6, s12, $0xb8;
	[tilespmem:$0x1A000] =	vst v63  }
0x4d: {  	_ =	swait.ge [sflag:s16], $0x2800  }
0x4e: {  	[sflag:s16] =	ssyncset.done $0x0  }
0x4f: {  	s7 =	rddreg [dreg:$0xe];
	[sflag:s16] =	ssyncadd.s32 $0xFFFFD800  }
0x50: {  	[spmem:s3] =	stream.indirect.scatter.add.f32 [tilespmem:s14], [sflag:$0x3], $0x80, s7, s12, $0xb8;
	[tilespmem:$0x1A000] =	vst v63  }
0x51: {  	_ =	swait.ge [sflag:s10], $0x2800  }
0x52: {  	[sflag:s10] =	ssyncset.done $0x0  }
0x53: {  	s8 =	rddreg [dreg:$0xf];
	[sflag:s10] =	ssyncadd.s32 $0xFFFFD800  }
0x54: {  	[tilespmem:s14], [sflag:$0x2] =	stream.indirect.gather [hbm4b:s5+s12], $0x80, s8, s12, $0xb8;
	[tilespmem:$0x1A000] =	vst v63  }
0x55: {  	_ =	swait.ge [sflag:s15], $0x2800  }
0x56: {  	[sflag:s15] =	ssyncset.done $0x0  }
0x57: {  	s6 =	rddreg [dreg:$0x10];
	[sflag:s15] =	ssyncadd.s32 $0xFFFFD800  }
0x58: {  	[spmem:s3] =	stream.indirect.scatter.add.f32 [tilespmem:s13], [sflag:$0x3], $0x80, s6, s12, $0xb8;
	[tilespmem:$0x1A000] =	vst v63  }
0x59: {  	_ =	swait.ge [sflag:s10], $0x2800  }
0x5a: {  	[sflag:s10] =	ssyncset.done $0x0  }
0x5b: {  	s7 =	rddreg [dreg:$0x11];
	[sflag:s10] =	ssyncadd.s32 $0xFFFFD800  }
0x5c: {  	[tilespmem:s13], [sflag:$0x1] =	stream.indirect.gather [hbm4b:s5+s12], $0x80, s7, s12, $0xb8;
	[tilespmem:$0x1A000] =	vst v63  }
0x5d: {  	_ =	swait.ge [sflag:s16], $0x2800  }
0x5e: {  	[sflag:s16] =	ssyncset.done $0x0  }
0x5f: {  	s8 =	rddreg [dreg:$0x12];
	[sflag:s16] =	ssyncadd.s32 $0xFFFFD800  }
0x60: {  	[spmem:s3] =	stream.indirect.scatter.add.f32 [tilespmem:s14], [sflag:$0x3], $0x80, s8, s12, $0xb8;
	[tilespmem:$0x1A000] =	vst v63  }
0x61: {  	_ =	swait.ge [sflag:s10], $0x2800  }
0x62: {  	[sflag:s10] =	ssyncset.done $0x0  }
0x63: {  	s6 =	rddreg [dreg:$0x13];
	[sflag:s10] =	ssyncadd.s32 $0xFFFFD800  }
0x64: {  	[tilespmem:s14], [sflag:$0x2] =	stream.indirect.gather [hbm4b:s5+s12], $0x80, s6, s12, $0xb8;
	[tilespmem:$0x1A000] =	vst v63  }
0x65: {  	_ =	swait.ge [sflag:s15], $0x2800  }
0x66: {  	[sflag:s15] =	ssyncset.done $0x0  }
0x67: {  	s7 =	rddreg [dreg:$0x14];
	[sflag:s15] =	ssyncadd.s32 $0xFFFFD800  }
0x68: {  	[spmem:s3] =	stream.indirect.scatter.add.f32 [tilespmem:s13], [sflag:$0x3], $0x80, s7, s12, $0xb8;
	[tilespmem:$0x1A000] =	vst v63  }
0x69: {  	_ =	swait.ge [sflag:s10], $0x2800  }
0x6a: {  	[sflag:s10] =	ssyncset.done $0x0  }
0x6b: {  	[sflag:s10] =	ssyncadd.s32 $0xFFFFD800  }
0x6c: {  	_ =	swait.ge [sflag:s16], $0x2800  }
0x6d: {  	[sflag:s16] =	ssyncset.done $0x0  }
0x6e: {  	s8 =	rddreg [dreg:$0x15];
	[sflag:s16] =	ssyncadd.s32 $0xFFFFD800  }
0x6f: {  	[spmem:s3] =	stream.indirect.scatter.add.f32 [tilespmem:s14], [sflag:$0x3], $0x80, s8, s12, $0xb8;
	[tilespmem:$0x1A000] =	vst v63  }
0x70: {  	_ =	swait.ge [sflag:s10], $0x2800  }
0x71: {  	s6 =	rddreg [dreg:$0x5];
	[sflag:s10] =	ssyncset.done $0x0  }
0x72: {  	[sflag:s10] =	ssyncadd.s32 $0xFFFFD800;
	s2 =	sadd.s32 $0x0, s6  }
0x73: {  	[tilespmem:s17], [sflag:$0x3] =	stream.linear.gather [hbm4b:s2+s4], $0x400, $0x38;
	[tilespmem:$0x1A000] =	vst v63  }
0x74: {  	_ =	swait.ge [sflag:s10], $0x400  }
0x75: {  	s7 =	rddreg [dreg:$0x4];
	[sflag:s10] =	ssyncset.done $0x0  }
0x76: {  	[sflag:s10] =	ssyncadd.s32 $0xFFFFFC00;
	s2 =	sadd.s32 $0x0, s7  }
0x77: {  	[tilespmem:s18], [sflag:$0x3] =	stream.linear.gather [hbm4b:s2+s4], $0x400, $0x38;
	[tilespmem:$0x1A000] =	vst v63  }
0x78: {  	_ =	swait.ge [sflag:s10], $0x400  }
0x79: {  	[sflag:s10] =	ssyncset.done $0x0  }
0x7a: {  	[sflag:s10] =	ssyncadd.s32 $0xFFFFFC00  }
0x7b: {  	[tilespmem:s13], [sflag:$0x1] =	stream.indirect.gather [hbm4b:s5+s12], $0x80, s17, s12, $0xb8;
	[tilespmem:$0x1A000] =	vst v63  }
0x7c: {  	s8 =	rddreg [dreg:$0x16]  }
0x7d: {  	[tilespmem:s14], [sflag:$0x2] =	stream.indirect.gather [hbm4b:s5+s12], $0x80, s8, s12, $0xb8;
	[tilespmem:$0x1A000] =	vst v63  }
0x7e: {  	_ =	swait.ge [sflag:s15], $0x2800  }
0x7f: {  	[sflag:s15] =	ssyncset.done $0x0  }
0x80: {  	[sflag:s15] =	ssyncadd.s32 $0xFFFFD800  }
0x81: {  	[spmem:s3] =	stream.indirect.scatter.add.f32 [tilespmem:s13], [sflag:$0x3], $0x80, s18, s12, $0xb8;
	[tilespmem:$0x1A000] =	vst v63  }
0x82: {  	_ =	swait.ge [sflag:s10], $0x2800  }
0x83: {  	[sflag:s10] =	ssyncset.done $0x0  }
0x84: {  	[sflag:s10] =	ssyncadd.s32 $0xFFFFD800  }
0x85: {  	[tilespmem:s13], [sflag:$0x1] =	stream.indirect.gather [hbm4b:s5+s12], $0x80, s19, s12, $0xb8;
	[tilespmem:$0x1A000] =	vst v63  }
0x86: {  	_ =	swait.ge [sflag:s16], $0x2800  }
0x87: {  	[sflag:s16] =	ssyncset.done $0x0  }
0x88: {  	[sflag:s16] =	ssyncadd.s32 $0xFFFFD800  }
0x89: {  	[spmem:s3] =	stream.indirect.scatter.add.f32 [tilespmem:s14], [sflag:$0x3], $0x80, s20, s12, $0xb8;
	[tilespmem:$0x1A000] =	vst v63  }
0x8a: {  	_ =	swait.ge [sflag:s10], $0x2800  }
0x8b: {  	[sflag:s10] =	ssyncset.done $0x0  }
0x8c: {  	[sflag:s10] =	ssyncadd.s32 $0xFFFFD800  }
0x8d: {  	[tilespmem:s14], [sflag:$0x2] =	stream.indirect.gather [hbm4b:s5+s12], $0x80, s21, s12, $0xb8;
	[tilespmem:$0x1A000] =	vst v63  }
0x8e: {  	_ =	swait.ge [sflag:s15], $0x2800  }
0x8f: {  	[sflag:s15] =	ssyncset.done $0x0  }
0x90: {  	[sflag:s15] =	ssyncadd.s32 $0xFFFFD800  }
0x91: {  	[spmem:s3] =	stream.indirect.scatter.add.f32 [tilespmem:s13], [sflag:$0x3], $0x80, s22, s12, $0xb8;
	[tilespmem:$0x1A000] =	vst v63  }
0x92: {  	_ =	swait.ge [sflag:s10], $0x2800  }
0x93: {  	[sflag:s10] =	ssyncset.done $0x0  }
0x94: {  	[sflag:s10] =	ssyncadd.s32 $0xFFFFD800  }
0x95: {  	[tilespmem:s13], [sflag:$0x1] =	stream.indirect.gather [hbm4b:s5+s12], $0x80, s23, s12, $0xb8;
	[tilespmem:$0x1A000] =	vst v63  }
0x96: {  	_ =	swait.ge [sflag:s16], $0x2800  }
0x97: {  	[sflag:s16] =	ssyncset.done $0x0  }
0x98: {  	[sflag:s16] =	ssyncadd.s32 $0xFFFFD800  }
0x99: {  	[spmem:s3] =	stream.indirect.scatter.add.f32 [tilespmem:s14], [sflag:$0x3], $0x80, s24, s12, $0xb8;
	[tilespmem:$0x1A000] =	vst v63  }
0x9a: {  	_ =	swait.ge [sflag:s10], $0x2800  }
0x9b: {  	[sflag:s10] =	ssyncset.done $0x0  }
0x9c: {  	[sflag:s10] =	ssyncadd.s32 $0xFFFFD800  }
0x9d: {  	[tilespmem:s14], [sflag:$0x2] =	stream.indirect.gather [hbm4b:s5+s12], $0x80, s25, s12, $0xb8;
	[tilespmem:$0x1A000] =	vst v63  }
0x9e: {  	_ =	swait.ge [sflag:s15], $0x2800  }
0x9f: {  	[sflag:s15] =	ssyncset.done $0x0  }
0xa0: {  	[sflag:s15] =	ssyncadd.s32 $0xFFFFD800  }
0xa1: {  	[spmem:s3] =	stream.indirect.scatter.add.f32 [tilespmem:s13], [sflag:$0x3], $0x80, s26, s12, $0xb8;
	[tilespmem:$0x1A000] =	vst v63  }
0xa2: {  	_ =	swait.ge [sflag:s10], $0x2800  }
0xa3: {  	[sflag:s10] =	ssyncset.done $0x0  }
0xa4: {  	[sflag:s10] =	ssyncadd.s32 $0xFFFFD800  }
0xa5: {  	[tilespmem:s13], [sflag:$0x1] =	stream.indirect.gather [hbm4b:s5+s12], $0x80, s28, s12, $0xb8;
	[tilespmem:$0x1A000] =	vst v63  }
0xa6: {  	_ =	swait.ge [sflag:s16], $0x2800  }
0xa7: {  	[sflag:s16] =	ssyncset.done $0x0  }
0xa8: {  	[sflag:s16] =	ssyncadd.s32 $0xFFFFD800  }
0xa9: {  	[spmem:s3] =	stream.indirect.scatter.add.f32 [tilespmem:s14], [sflag:$0x3], $0x80, s29, s12, $0xb8;
	[tilespmem:$0x1A000] =	vst v63  }
0xaa: {  	_ =	swait.ge [sflag:s10], $0x2800  }
0xab: {  	[sflag:s10] =	ssyncset.done $0x0  }
0xac: {  	[sflag:s10] =	ssyncadd.s32 $0xFFFFD800  }
0xad: {  	[tilespmem:s14], [sflag:$0x2] =	stream.indirect.gather [hbm4b:s5+s12], $0x80, s30, s12, $0xb8;
	[tilespmem:$0x1A000] =	vst v63  }
0xae: {  	_ =	swait.ge [sflag:s15], $0x2800  }
0xaf: {  	[sflag:s15] =	ssyncset.done $0x0  }
0xb0: {  	[sflag:s15] =	ssyncadd.s32 $0xFFFFD800  }
0xb1: {  	[spmem:s3] =	stream.indirect.scatter.add.f32 [tilespmem:s13], [sflag:$0x3], $0x80, s31, s12, $0xb8;
	[tilespmem:$0x1A000] =	vst v63  }
0xb2: {  	_ =	swait.ge [sflag:s10], $0x2800  }
0xb3: {  	[sflag:s10] =	ssyncset.done $0x0  }
0xb4: {  	[sflag:s10] =	ssyncadd.s32 $0xFFFFD800  }
0xb5: {  	_ =	swait.ge [sflag:s16], $0x2800  }
0xb6: {  	[sflag:s16] =	ssyncset.done $0x0  }
0xb7: {  	[sflag:s16] =	ssyncadd.s32 $0xFFFFD800  }
0xb8: {  	[spmem:s3] =	stream.indirect.scatter.add.f32 [tilespmem:s14], [sflag:$0x3], $0x80, s1, s12, $0xb8;
	[tilespmem:$0x1A000] =	vst v63  }
0xb9: {  	s7 =	simm.s32 $0x200;
	_ =	swait.ge [sflag:s10], $0x2800  }
0xba: {  	s2 =	simm.s32 $0x100;
	s6 =	rddreg [dreg:$0x7];
	[sflag:s10] =	ssyncset.done $0x0  }
.LBB2_2:
0xbb: {  	[sflag:s10] =	ssyncadd.s32 $0xFFFFD800;
	s6 =	sadd.s32 s2, s6  }
0xbc: {  	[tilespmem:s4], [sflag:$0x3] =	stream.linear.gather [hbm4b:s6+s4], $0x400, $0x38;
	[tilespmem:$0x1A000] =	vst v63  }
0xbd: {  	_ =	swait.ge [sflag:s10], $0x400  }
0xbe: {  	s6 =	rddreg [dreg:$0x6];
	[sflag:s10] =	ssyncset.done $0x0  }
0xbf: {  	[sflag:s10] =	ssyncadd.s32 $0xFFFFFC00;
	s6 =	sadd.s32 s2, s6  }
0xc0: {  	[tilespmem:s11], [sflag:$0x3] =	stream.linear.gather [hbm4b:s6+s4], $0x400, $0x38;
	[tilespmem:$0x1A000] =	vst v63  }
0xc1: {  	_ =	swait.ge [sflag:s10], $0x400  }
0xc2: {  	[sflag:s10] =	ssyncset.done $0x0  }
0xc3: {  	[sflag:s10] =	ssyncadd.s32 $0xFFFFFC00  }
0xc4: {  	[tilespmem:s13], [sflag:$0x1] =	stream.indirect.gather [hbm4b:s5+s12], $0x80, s4, s12, $0xb8;
	[tilespmem:$0x1A000] =	vst v63  }
0xc5: {  	s6 =	rddreg [dreg:$0x8]  }
0xc6: {  	[tilespmem:s14], [sflag:$0x2] =	stream.indirect.gather [hbm4b:s5+s12], $0x80, s6, s12, $0xb8;
	[tilespmem:$0x1A000] =	vst v63  }
0xc7: {  	_ =	swait.ge [sflag:s15], $0x2800  }
0xc8: {  	[sflag:s15] =	ssyncset.done $0x0  }
0xc9: {  	[sflag:s15] =	ssyncadd.s32 $0xFFFFD800  }
0xca: {  	[spmem:s3] =	stream.indirect.scatter.add.f32 [tilespmem:s13], [sflag:$0x3], $0x80, s11, s12, $0xb8;
	[tilespmem:$0x1A000] =	vst v63  }
0xcb: {  	_ =	swait.ge [sflag:s10], $0x2800  }
0xcc: {  	[sflag:s10] =	ssyncset.done $0x0  }
0xcd: {  	s6 =	rddreg [dreg:$0x9];
	[sflag:s10] =	ssyncadd.s32 $0xFFFFD800  }
0xce: {  	[tilespmem:s13], [sflag:$0x1] =	stream.indirect.gather [hbm4b:s5+s12], $0x80, s6, s12, $0xb8;
	[tilespmem:$0x1A000] =	vst v63  }
0xcf: {  	_ =	swait.ge [sflag:s16], $0x2800  }
0xd0: {  	[sflag:s16] =	ssyncset.done $0x0  }
0xd1: {  	s6 =	rddreg [dreg:$0xa];
	[sflag:s16] =	ssyncadd.s32 $0xFFFFD800  }
0xd2: {  	[spmem:s3] =	stream.indirect.scatter.add.f32 [tilespmem:s14], [sflag:$0x3], $0x80, s6, s12, $0xb8;
	[tilespmem:$0x1A000] =	vst v63  }
0xd3: {  	_ =	swait.ge [sflag:s10], $0x2800  }
0xd4: {  	[sflag:s10] =	ssyncset.done $0x0  }
0xd5: {  	s6 =	rddreg [dreg:$0xb];
	[sflag:s10] =	ssyncadd.s32 $0xFFFFD800  }
0xd6: {  	[tilespmem:s14], [sflag:$0x2] =	stream.indirect.gather [hbm4b:s5+s12], $0x80, s6, s12, $0xb8;
	[tilespmem:$0x1A000] =	vst v63  }
0xd7: {  	_ =	swait.ge [sflag:s15], $0x2800  }
0xd8: {  	[sflag:s15] =	ssyncset.done $0x0  }
0xd9: {  	s6 =	rddreg [dreg:$0xc];
	[sflag:s15] =	ssyncadd.s32 $0xFFFFD800  }
0xda: {  	[spmem:s3] =	stream.indirect.scatter.add.f32 [tilespmem:s13], [sflag:$0x3], $0x80, s6, s12, $0xb8;
	[tilespmem:$0x1A000] =	vst v63  }
0xdb: {  	_ =	swait.ge [sflag:s10], $0x2800  }
0xdc: {  	[sflag:s10] =	ssyncset.done $0x0  }
0xdd: {  	s6 =	rddreg [dreg:$0xd];
	[sflag:s10] =	ssyncadd.s32 $0xFFFFD800  }
0xde: {  	[tilespmem:s13], [sflag:$0x1] =	stream.indirect.gather [hbm4b:s5+s12], $0x80, s6, s12, $0xb8;
	[tilespmem:$0x1A000] =	vst v63  }
0xdf: {  	_ =	swait.ge [sflag:s16], $0x2800  }
0xe0: {  	[sflag:s16] =	ssyncset.done $0x0  }
0xe1: {  	s6 =	rddreg [dreg:$0xe];
	[sflag:s16] =	ssyncadd.s32 $0xFFFFD800  }
0xe2: {  	[spmem:s3] =	stream.indirect.scatter.add.f32 [tilespmem:s14], [sflag:$0x3], $0x80, s6, s12, $0xb8;
	[tilespmem:$0x1A000] =	vst v63  }
0xe3: {  	_ =	swait.ge [sflag:s10], $0x2800  }
0xe4: {  	[sflag:s10] =	ssyncset.done $0x0  }
0xe5: {  	s6 =	rddreg [dreg:$0xf];
	[sflag:s10] =	ssyncadd.s32 $0xFFFFD800  }
0xe6: {  	[tilespmem:s14], [sflag:$0x2] =	stream.indirect.gather [hbm4b:s5+s12], $0x80, s6, s12, $0xb8;
	[tilespmem:$0x1A000] =	vst v63  }
0xe7: {  	_ =	swait.ge [sflag:s15], $0x2800  }
0xe8: {  	[sflag:s15] =	ssyncset.done $0x0  }
0xe9: {  	s6 =	rddreg [dreg:$0x10];
	[sflag:s15] =	ssyncadd.s32 $0xFFFFD800  }
0xea: {  	[spmem:s3] =	stream.indirect.scatter.add.f32 [tilespmem:s13], [sflag:$0x3], $0x80, s6, s12, $0xb8;
	[tilespmem:$0x1A000] =	vst v63  }
0xeb: {  	_ =	swait.ge [sflag:s10], $0x2800  }
0xec: {  	[sflag:s10] =	ssyncset.done $0x0  }
0xed: {  	s6 =	rddreg [dreg:$0x11];
	[sflag:s10] =	ssyncadd.s32 $0xFFFFD800  }
0xee: {  	[tilespmem:s13], [sflag:$0x1] =	stream.indirect.gather [hbm4b:s5+s12], $0x80, s6, s12, $0xb8;
	[tilespmem:$0x1A000] =	vst v63  }
0xef: {  	_ =	swait.ge [sflag:s16], $0x2800  }
0xf0: {  	[sflag:s16] =	ssyncset.done $0x0  }
0xf1: {  	s6 =	rddreg [dreg:$0x12];
	[sflag:s16] =	ssyncadd.s32 $0xFFFFD800  }
0xf2: {  	[spmem:s3] =	stream.indirect.scatter.add.f32 [tilespmem:s14], [sflag:$0x3], $0x80, s6, s12, $0xb8;
	[tilespmem:$0x1A000] =	vst v63  }
0xf3: {  	_ =	swait.ge [sflag:s10], $0x2800  }
0xf4: {  	[sflag:s10] =	ssyncset.done $0x0  }
0xf5: {  	s6 =	rddreg [dreg:$0x13];
	[sflag:s10] =	ssyncadd.s32 $0xFFFFD800  }
0xf6: {  	[tilespmem:s14], [sflag:$0x2] =	stream.indirect.gather [hbm4b:s5+s12], $0x80, s6, s12, $0xb8;
	[tilespmem:$0x1A000] =	vst v63  }
0xf7: {  	_ =	swait.ge [sflag:s15], $0x2800  }
0xf8: {  	[sflag:s15] =	ssyncset.done $0x0  }
0xf9: {  	s6 =	rddreg [dreg:$0x14];
	[sflag:s15] =	ssyncadd.s32 $0xFFFFD800  }
0xfa: {  	[spmem:s3] =	stream.indirect.scatter.add.f32 [tilespmem:s13], [sflag:$0x3], $0x80, s6, s12, $0xb8;
	[tilespmem:$0x1A000] =	vst v63  }
0xfb: {  	_ =	swait.ge [sflag:s10], $0x2800  }
0xfc: {  	[sflag:s10] =	ssyncset.done $0x0  }
0xfd: {  	[sflag:s10] =	ssyncadd.s32 $0xFFFFD800  }
0xfe: {  	_ =	swait.ge [sflag:s16], $0x2800  }
0xff: {  	[sflag:s16] =	ssyncset.done $0x0  }
0x100: {  	s6 =	rddreg [dreg:$0x15];
	[sflag:s16] =	ssyncadd.s32 $0xFFFFD800  }
0x101: {  	[spmem:s3] =	stream.indirect.scatter.add.f32 [tilespmem:s14], [sflag:$0x3], $0x80, s6, s12, $0xb8;
	[tilespmem:$0x1A000] =	vst v63  }
0x102: {  	_ =	swait.ge [sflag:s10], $0x2800  }
0x103: {  	s6 =	rddreg [dreg:$0x5];
	[sflag:s10] =	ssyncset.done $0x0  }
0x104: {  	[sflag:s10] =	ssyncadd.s32 $0xFFFFD800;
	s6 =	sadd.s32 s2, s6  }
0x105: {  	[tilespmem:s17], [sflag:$0x3] =	stream.linear.gather [hbm4b:s6+s4], $0x400, $0x38;
	[tilespmem:$0x1A000] =	vst v63  }
0x106: {  	_ =	swait.ge [sflag:s10], $0x400  }
0x107: {  	s6 =	rddreg [dreg:$0x4];
	[sflag:s10] =	ssyncset.done $0x0  }
0x108: {  	[sflag:s10] =	ssyncadd.s32 $0xFFFFFC00;
	s6 =	sadd.s32 s2, s6  }
0x109: {  	[tilespmem:s18], [sflag:$0x3] =	stream.linear.gather [hbm4b:s6+s4], $0x400, $0x38;
	[tilespmem:$0x1A000] =	vst v63  }
0x10a: {  	_ =	swait.ge [sflag:s10], $0x400  }
0x10b: {  	[sflag:s10] =	ssyncset.done $0x0  }
0x10c: {  	s8 =	smov.u32 s7;
	[sflag:s10] =	ssyncadd.s32 $0xFFFFFC00  }
0x10d: {  	[tilespmem:s13], [sflag:$0x1] =	stream.indirect.gather [hbm4b:s5+s12], $0x80, s17, s12, $0xb8;
	[tilespmem:$0x1A000] =	vst v63  }
0x10e: {  	s2 =	smov.u32 s8;
	s8 =	rddreg [dreg:$0x16]  }
0x10f: {  	[tilespmem:s14], [sflag:$0x2] =	stream.indirect.gather [hbm4b:s5+s12], $0x80, s8, s12, $0xb8;
	[tilespmem:$0x1A000] =	vst v63  }
0x110: {  	_ =	swait.ge [sflag:s15], $0x2800  }
0x111: {  	[sflag:s15] =	ssyncset.done $0x0  }
0x112: {  	[sflag:s15] =	ssyncadd.s32 $0xFFFFD800  }
0x113: {  	[spmem:s3] =	stream.indirect.scatter.add.f32 [tilespmem:s13], [sflag:$0x3], $0x80, s18, s12, $0xb8;
	[tilespmem:$0x1A000] =	vst v63  }
0x114: {  	_ =	swait.ge [sflag:s10], $0x2800  }
0x115: {  	[sflag:s10] =	ssyncset.done $0x0  }
0x116: {  	[sflag:s10] =	ssyncadd.s32 $0xFFFFD800  }
0x117: {  	[tilespmem:s13], [sflag:$0x1] =	stream.indirect.gather [hbm4b:s5+s12], $0x80, s19, s12, $0xb8;
	[tilespmem:$0x1A000] =	vst v63  }
0x118: {  	_ =	swait.ge [sflag:s16], $0x2800  }
0x119: {  	[sflag:s16] =	ssyncset.done $0x0  }
0x11a: {  	[sflag:s16] =	ssyncadd.s32 $0xFFFFD800  }
0x11b: {  	[spmem:s3] =	stream.indirect.scatter.add.f32 [tilespmem:s14], [sflag:$0x3], $0x80, s20, s12, $0xb8;
	[tilespmem:$0x1A000] =	vst v63  }
0x11c: {  	_ =	swait.ge [sflag:s10], $0x2800  }
0x11d: {  	[sflag:s10] =	ssyncset.done $0x0  }
0x11e: {  	[sflag:s10] =	ssyncadd.s32 $0xFFFFD800  }
0x11f: {  	[tilespmem:s14], [sflag:$0x2] =	stream.indirect.gather [hbm4b:s5+s12], $0x80, s21, s12, $0xb8;
	[tilespmem:$0x1A000] =	vst v63  }
0x120: {  	_ =	swait.ge [sflag:s15], $0x2800  }
0x121: {  	[sflag:s15] =	ssyncset.done $0x0  }
0x122: {  	[sflag:s15] =	ssyncadd.s32 $0xFFFFD800  }
0x123: {  	[spmem:s3] =	stream.indirect.scatter.add.f32 [tilespmem:s13], [sflag:$0x3], $0x80, s22, s12, $0xb8;
	[tilespmem:$0x1A000] =	vst v63  }
0x124: {  	_ =	swait.ge [sflag:s10], $0x2800  }
0x125: {  	[sflag:s10] =	ssyncset.done $0x0  }
0x126: {  	[sflag:s10] =	ssyncadd.s32 $0xFFFFD800  }
0x127: {  	[tilespmem:s13], [sflag:$0x1] =	stream.indirect.gather [hbm4b:s5+s12], $0x80, s23, s12, $0xb8;
	[tilespmem:$0x1A000] =	vst v63  }
0x128: {  	_ =	swait.ge [sflag:s16], $0x2800  }
0x129: {  	[sflag:s16] =	ssyncset.done $0x0  }
0x12a: {  	[sflag:s16] =	ssyncadd.s32 $0xFFFFD800  }
0x12b: {  	[spmem:s3] =	stream.indirect.scatter.add.f32 [tilespmem:s14], [sflag:$0x3], $0x80, s24, s12, $0xb8;
	[tilespmem:$0x1A000] =	vst v63  }
0x12c: {  	_ =	swait.ge [sflag:s10], $0x2800  }
0x12d: {  	[sflag:s10] =	ssyncset.done $0x0  }
0x12e: {  	[sflag:s10] =	ssyncadd.s32 $0xFFFFD800  }
0x12f: {  	[tilespmem:s14], [sflag:$0x2] =	stream.indirect.gather [hbm4b:s5+s12], $0x80, s25, s12, $0xb8;
	[tilespmem:$0x1A000] =	vst v63  }
0x130: {  	_ =	swait.ge [sflag:s15], $0x2800  }
0x131: {  	[sflag:s15] =	ssyncset.done $0x0  }
0x132: {  	[sflag:s15] =	ssyncadd.s32 $0xFFFFD800  }
0x133: {  	[spmem:s3] =	stream.indirect.scatter.add.f32 [tilespmem:s13], [sflag:$0x3], $0x80, s26, s12, $0xb8;
	[tilespmem:$0x1A000] =	vst v63  }
0x134: {  	_ =	swait.ge [sflag:s10], $0x2800  }
0x135: {  	[sflag:s10] =	ssyncset.done $0x0  }
0x136: {  	[sflag:s10] =	ssyncadd.s32 $0xFFFFD800  }
0x137: {  	[tilespmem:s13], [sflag:$0x1] =	stream.indirect.gather [hbm4b:s5+s12], $0x80, s28, s12, $0xb8;
	[tilespmem:$0x1A000] =	vst v63  }
0x138: {  	_ =	swait.ge [sflag:s16], $0x2800  }
0x139: {  	[sflag:s16] =	ssyncset.done $0x0  }
0x13a: {  	[sflag:s16] =	ssyncadd.s32 $0xFFFFD800  }
0x13b: {  	[spmem:s3] =	stream.indirect.scatter.add.f32 [tilespmem:s14], [sflag:$0x3], $0x80, s29, s12, $0xb8;
	[tilespmem:$0x1A000] =	vst v63  }
0x13c: {  	_ =	swait.ge [sflag:s10], $0x2800  }
0x13d: {  	[sflag:s10] =	ssyncset.done $0x0  }
0x13e: {  	[sflag:s10] =	ssyncadd.s32 $0xFFFFD800  }
0x13f: {  	[tilespmem:s14], [sflag:$0x2] =	stream.indirect.gather [hbm4b:s5+s12], $0x80, s30, s12, $0xb8;
	[tilespmem:$0x1A000] =	vst v63  }
0x140: {  	_ =	swait.ge [sflag:s15], $0x2800  }
0x141: {  	[sflag:s15] =	ssyncset.done $0x0  }
0x142: {  	[sflag:s15] =	ssyncadd.s32 $0xFFFFD800  }
0x143: {  	[spmem:s3] =	stream.indirect.scatter.add.f32 [tilespmem:s13], [sflag:$0x3], $0x80, s31, s12, $0xb8;
	[tilespmem:$0x1A000] =	vst v63  }
0x144: {  	_ =	swait.ge [sflag:s10], $0x2800  }
0x145: {  	[sflag:s10] =	ssyncset.done $0x0  }
0x146: {  	[sflag:s10] =	ssyncadd.s32 $0xFFFFD800  }
0x147: {  	p0 =	sne.s32 s7, $0x700;
	_ =	swait.ge [sflag:s16], $0x2800  }
.Ltmp0:
0x148: {  	[sflag:s16] =	ssyncset.done $0x0;
	(pc) =	sbr.rel @p0 .LBB2_2-.Ltmp0, $4  }
0x149: {  	[sflag:s16] =	ssyncadd.s32 $0xFFFFD800  }
0x14a: {  	[spmem:s3] =	stream.indirect.scatter.add.f32 [tilespmem:s14], [sflag:$0x3], $0x80, s1, s12, $0xb8;
	[tilespmem:$0x1A000] =	vst v63  }
0x14b: {  	_ =	swait.ge [sflag:s10], $0x2800  }
0x14c: {  	s7 =	sadd.s32 $0x100, s7;
	s6 =	rddreg [dreg:$0x7];
	[sflag:s10] =	ssyncset.done $0x0  }
0x14d: {  	[sflag:s10] =	ssyncadd.s32 $0xFFFFD800;
	s6 =	sadd.s32 s2, s6  }
0x14e: {  	[tilespmem:s4], [sflag:$0x3] =	stream.linear.gather [hbm4b:s6+s4], $0x400, $0x38;
	[tilespmem:$0x1A000] =	vst v63  }
0x14f: {  	_ =	swait.ge [sflag:s10], $0x400  }
0x150: {  	s8 =	rddreg [dreg:$0x6];
	[sflag:s10] =	ssyncset.done $0x0  }
0x151: {  	[sflag:s10] =	ssyncadd.s32 $0xFFFFFC00;
	s6 =	sadd.s32 s2, s8  }
0x152: {  	[tilespmem:s11], [sflag:$0x3] =	stream.linear.gather [hbm4b:s6+s4], $0x400, $0x38;
	[tilespmem:$0x1A000] =	vst v63  }
0x153: {  	_ =	swait.ge [sflag:s10], $0x400  }
0x154: {  	[sflag:s10] =	ssyncset.done $0x0  }
0x155: {  	[sflag:s10] =	ssyncadd.s32 $0xFFFFFC00  }
0x156: {  	[tilespmem:s13], [sflag:$0x1] =	stream.indirect.gather [hbm4b:s5+s12], $0x80, s4, s12, $0xb8;
	[tilespmem:$0x1A000] =	vst v63  }
0x157: {  	s7 =	rddreg [dreg:$0x8]  }
0x158: {  	[tilespmem:s14], [sflag:$0x2] =	stream.indirect.gather [hbm4b:s5+s12], $0x80, s7, s12, $0xb8;
	[tilespmem:$0x1A000] =	vst v63  }
0x159: {  	_ =	swait.ge [sflag:s15], $0x2800  }
0x15a: {  	[sflag:s15] =	ssyncset.done $0x0  }
0x15b: {  	[sflag:s15] =	ssyncadd.s32 $0xFFFFD800  }
0x15c: {  	[spmem:s3] =	stream.indirect.scatter.add.f32 [tilespmem:s13], [sflag:$0x3], $0x80, s11, s12, $0xb8;
	[tilespmem:$0x1A000] =	vst v63  }
0x15d: {  	_ =	swait.ge [sflag:s10], $0x2800  }
0x15e: {  	[sflag:s10] =	ssyncset.done $0x0  }
0x15f: {  	s8 =	rddreg [dreg:$0x9];
	[sflag:s10] =	ssyncadd.s32 $0xFFFFD800  }
0x160: {  	[tilespmem:s13], [sflag:$0x1] =	stream.indirect.gather [hbm4b:s5+s12], $0x80, s8, s12, $0xb8;
	[tilespmem:$0x1A000] =	vst v63  }
0x161: {  	_ =	swait.ge [sflag:s16], $0x2800  }
0x162: {  	[sflag:s16] =	ssyncset.done $0x0  }
0x163: {  	s7 =	rddreg [dreg:$0xa];
	[sflag:s16] =	ssyncadd.s32 $0xFFFFD800  }
0x164: {  	[spmem:s3] =	stream.indirect.scatter.add.f32 [tilespmem:s14], [sflag:$0x3], $0x80, s7, s12, $0xb8;
	[tilespmem:$0x1A000] =	vst v63  }
0x165: {  	_ =	swait.ge [sflag:s10], $0x2800  }
0x166: {  	[sflag:s10] =	ssyncset.done $0x0  }
0x167: {  	s8 =	rddreg [dreg:$0xb];
	[sflag:s10] =	ssyncadd.s32 $0xFFFFD800  }
0x168: {  	[tilespmem:s14], [sflag:$0x2] =	stream.indirect.gather [hbm4b:s5+s12], $0x80, s8, s12, $0xb8;
	[tilespmem:$0x1A000] =	vst v63  }
0x169: {  	_ =	swait.ge [sflag:s15], $0x2800  }
0x16a: {  	[sflag:s15] =	ssyncset.done $0x0  }
0x16b: {  	s7 =	rddreg [dreg:$0xc];
	[sflag:s15] =	ssyncadd.s32 $0xFFFFD800  }
0x16c: {  	[spmem:s3] =	stream.indirect.scatter.add.f32 [tilespmem:s13], [sflag:$0x3], $0x80, s7, s12, $0xb8;
	[tilespmem:$0x1A000] =	vst v63  }
0x16d: {  	_ =	swait.ge [sflag:s10], $0x2800  }
0x16e: {  	[sflag:s10] =	ssyncset.done $0x0  }
0x16f: {  	s8 =	rddreg [dreg:$0xd];
	[sflag:s10] =	ssyncadd.s32 $0xFFFFD800  }
0x170: {  	[tilespmem:s13], [sflag:$0x1] =	stream.indirect.gather [hbm4b:s5+s12], $0x80, s8, s12, $0xb8;
	[tilespmem:$0x1A000] =	vst v63  }
0x171: {  	_ =	swait.ge [sflag:s16], $0x2800  }
0x172: {  	[sflag:s16] =	ssyncset.done $0x0  }
0x173: {  	s7 =	rddreg [dreg:$0xe];
	[sflag:s16] =	ssyncadd.s32 $0xFFFFD800  }
0x174: {  	[spmem:s3] =	stream.indirect.scatter.add.f32 [tilespmem:s14], [sflag:$0x3], $0x80, s7, s12, $0xb8;
	[tilespmem:$0x1A000] =	vst v63  }
0x175: {  	_ =	swait.ge [sflag:s10], $0x2800  }
0x176: {  	[sflag:s10] =	ssyncset.done $0x0  }
0x177: {  	s8 =	rddreg [dreg:$0xf];
	[sflag:s10] =	ssyncadd.s32 $0xFFFFD800  }
0x178: {  	[tilespmem:s14], [sflag:$0x2] =	stream.indirect.gather [hbm4b:s5+s12], $0x80, s8, s12, $0xb8;
	[tilespmem:$0x1A000] =	vst v63  }
0x179: {  	_ =	swait.ge [sflag:s15], $0x2800  }
0x17a: {  	[sflag:s15] =	ssyncset.done $0x0  }
0x17b: {  	s7 =	rddreg [dreg:$0x10];
	[sflag:s15] =	ssyncadd.s32 $0xFFFFD800  }
0x17c: {  	[spmem:s3] =	stream.indirect.scatter.add.f32 [tilespmem:s13], [sflag:$0x3], $0x80, s7, s12, $0xb8;
	[tilespmem:$0x1A000] =	vst v63  }
0x17d: {  	_ =	swait.ge [sflag:s10], $0x2800  }
0x17e: {  	[sflag:s10] =	ssyncset.done $0x0  }
0x17f: {  	s8 =	rddreg [dreg:$0x11];
	[sflag:s10] =	ssyncadd.s32 $0xFFFFD800  }
0x180: {  	[tilespmem:s13], [sflag:$0x1] =	stream.indirect.gather [hbm4b:s5+s12], $0x80, s8, s12, $0xb8;
	[tilespmem:$0x1A000] =	vst v63  }
0x181: {  	_ =	swait.ge [sflag:s16], $0x2800  }
0x182: {  	[sflag:s16] =	ssyncset.done $0x0  }
0x183: {  	s7 =	rddreg [dreg:$0x12];
	[sflag:s16] =	ssyncadd.s32 $0xFFFFD800  }
0x184: {  	[spmem:s3] =	stream.indirect.scatter.add.f32 [tilespmem:s14], [sflag:$0x3], $0x80, s7, s12, $0xb8;
	[tilespmem:$0x1A000] =	vst v63  }
0x185: {  	_ =	swait.ge [sflag:s10], $0x2800  }
0x186: {  	[sflag:s10] =	ssyncset.done $0x0  }
0x187: {  	s8 =	rddreg [dreg:$0x13];
	[sflag:s10] =	ssyncadd.s32 $0xFFFFD800  }
0x188: {  	[tilespmem:s14], [sflag:$0x2] =	stream.indirect.gather [hbm4b:s5+s12], $0x80, s8, s12, $0xb8;
	[tilespmem:$0x1A000] =	vst v63  }
0x189: {  	_ =	swait.ge [sflag:s15], $0x2800  }
0x18a: {  	[sflag:s15] =	ssyncset.done $0x0  }
0x18b: {  	s7 =	rddreg [dreg:$0x14];
	[sflag:s15] =	ssyncadd.s32 $0xFFFFD800  }
0x18c: {  	[spmem:s3] =	stream.indirect.scatter.add.f32 [tilespmem:s13], [sflag:$0x3], $0x80, s7, s12, $0xb8;
	[tilespmem:$0x1A000] =	vst v63  }
0x18d: {  	_ =	swait.ge [sflag:s10], $0x2800  }
0x18e: {  	[sflag:s10] =	ssyncset.done $0x0  }
0x18f: {  	[sflag:s10] =	ssyncadd.s32 $0xFFFFD800  }
0x190: {  	_ =	swait.ge [sflag:s16], $0x2800  }
0x191: {  	[sflag:s16] =	ssyncset.done $0x0  }
0x192: {  	s8 =	rddreg [dreg:$0x15];
	[sflag:s16] =	ssyncadd.s32 $0xFFFFD800  }
0x193: {  	[spmem:s3] =	stream.indirect.scatter.add.f32 [tilespmem:s14], [sflag:$0x3], $0x80, s8, s12, $0xb8;
	[tilespmem:$0x1A000] =	vst v63  }
0x194: {  	_ =	swait.ge [sflag:s10], $0x2800  }
0x195: {  	s7 =	rddreg [dreg:$0x5];
	[sflag:s10] =	ssyncset.done $0x0  }
0x196: {  	[sflag:s10] =	ssyncadd.s32 $0xFFFFD800;
	s6 =	sadd.s32 s2, s7  }
0x197: {  	[tilespmem:s17], [sflag:$0x3] =	stream.linear.gather [hbm4b:s6+s4], $0x400, $0x38;
	[tilespmem:$0x1A000] =	vst v63  }
0x198: {  	_ =	swait.ge [sflag:s10], $0x400  }
0x199: {  	s8 =	rddreg [dreg:$0x4];
	[sflag:s10] =	ssyncset.done $0x0  }
0x19a: {  	s6 =	sadd.s32 s2, s8;
	[sflag:s10] =	ssyncadd.s32 $0xFFFFFC00  }
0x19b: {  	[tilespmem:s18], [sflag:$0x3] =	stream.linear.gather [hbm4b:s6+s4], $0x400, $0x38;
	[tilespmem:$0x1A000] =	vst v63  }
0x19c: {  	_ =	swait.ge [sflag:s10], $0x400  }
0x19d: {  	[sflag:s10] =	ssyncset.done $0x0  }
0x19e: {  	[sflag:s10] =	ssyncadd.s32 $0xFFFFFC00  }
0x19f: {  	[tilespmem:s13], [sflag:$0x1] =	stream.indirect.gather [hbm4b:s5+s12], $0x80, s17, s12, $0xb8;
	[tilespmem:$0x1A000] =	vst v63  }
0x1a0: {  	s7 =	rddreg [dreg:$0x16]  }
0x1a1: {  	[tilespmem:s14], [sflag:$0x2] =	stream.indirect.gather [hbm4b:s5+s12], $0x80, s7, s12, $0xb8;
	[tilespmem:$0x1A000] =	vst v63  }
0x1a2: {  	_ =	swait.ge [sflag:s15], $0x2800  }
0x1a3: {  	[sflag:s15] =	ssyncset.done $0x0  }
0x1a4: {  	[sflag:s15] =	ssyncadd.s32 $0xFFFFD800  }
0x1a5: {  	[spmem:s3] =	stream.indirect.scatter.add.f32 [tilespmem:s13], [sflag:$0x3], $0x80, s18, s12, $0xb8;
	[tilespmem:$0x1A000] =	vst v63  }
0x1a6: {  	_ =	swait.ge [sflag:s10], $0x2800  }
0x1a7: {  	[sflag:s10] =	ssyncset.done $0x0  }
0x1a8: {  	[sflag:s10] =	ssyncadd.s32 $0xFFFFD800  }
0x1a9: {  	[tilespmem:s13], [sflag:$0x1] =	stream.indirect.gather [hbm4b:s5+s12], $0x80, s19, s12, $0xb8;
	[tilespmem:$0x1A000] =	vst v63  }
0x1aa: {  	_ =	swait.ge [sflag:s16], $0x2800  }
0x1ab: {  	[sflag:s16] =	ssyncset.done $0x0  }
0x1ac: {  	[sflag:s16] =	ssyncadd.s32 $0xFFFFD800  }
0x1ad: {  	[spmem:s3] =	stream.indirect.scatter.add.f32 [tilespmem:s14], [sflag:$0x3], $0x80, s20, s12, $0xb8;
	[tilespmem:$0x1A000] =	vst v63  }
0x1ae: {  	_ =	swait.ge [sflag:s10], $0x2800  }
0x1af: {  	[sflag:s10] =	ssyncset.done $0x0  }
0x1b0: {  	[sflag:s10] =	ssyncadd.s32 $0xFFFFD800  }
0x1b1: {  	[tilespmem:s14], [sflag:$0x2] =	stream.indirect.gather [hbm4b:s5+s12], $0x80, s21, s12, $0xb8;
	[tilespmem:$0x1A000] =	vst v63  }
0x1b2: {  	_ =	swait.ge [sflag:s15], $0x2800  }
0x1b3: {  	[sflag:s15] =	ssyncset.done $0x0  }
0x1b4: {  	[sflag:s15] =	ssyncadd.s32 $0xFFFFD800  }
0x1b5: {  	[spmem:s3] =	stream.indirect.scatter.add.f32 [tilespmem:s13], [sflag:$0x3], $0x80, s22, s12, $0xb8;
	[tilespmem:$0x1A000] =	vst v63  }
0x1b6: {  	_ =	swait.ge [sflag:s10], $0x2800  }
0x1b7: {  	[sflag:s10] =	ssyncset.done $0x0  }
0x1b8: {  	[sflag:s10] =	ssyncadd.s32 $0xFFFFD800  }
0x1b9: {  	[tilespmem:s13], [sflag:$0x1] =	stream.indirect.gather [hbm4b:s5+s12], $0x80, s23, s12, $0xb8;
	[tilespmem:$0x1A000] =	vst v63  }
0x1ba: {  	_ =	swait.ge [sflag:s16], $0x2800  }
0x1bb: {  	[sflag:s16] =	ssyncset.done $0x0  }
0x1bc: {  	[sflag:s16] =	ssyncadd.s32 $0xFFFFD800  }
0x1bd: {  	[spmem:s3] =	stream.indirect.scatter.add.f32 [tilespmem:s14], [sflag:$0x3], $0x80, s24, s12, $0xb8;
	[tilespmem:$0x1A000] =	vst v63  }
0x1be: {  	_ =	swait.ge [sflag:s10], $0x2800  }
0x1bf: {  	[sflag:s10] =	ssyncset.done $0x0  }
0x1c0: {  	[sflag:s10] =	ssyncadd.s32 $0xFFFFD800  }
0x1c1: {  	[tilespmem:s14], [sflag:$0x2] =	stream.indirect.gather [hbm4b:s5+s12], $0x80, s25, s12, $0xb8;
	[tilespmem:$0x1A000] =	vst v63  }
0x1c2: {  	_ =	swait.ge [sflag:s15], $0x2800  }
0x1c3: {  	[sflag:s15] =	ssyncset.done $0x0  }
0x1c4: {  	[sflag:s15] =	ssyncadd.s32 $0xFFFFD800  }
0x1c5: {  	[spmem:s3] =	stream.indirect.scatter.add.f32 [tilespmem:s13], [sflag:$0x3], $0x80, s26, s12, $0xb8;
	[tilespmem:$0x1A000] =	vst v63  }
0x1c6: {  	_ =	swait.ge [sflag:s10], $0x2800  }
0x1c7: {  	[sflag:s10] =	ssyncset.done $0x0  }
0x1c8: {  	[sflag:s10] =	ssyncadd.s32 $0xFFFFD800  }
0x1c9: {  	[tilespmem:s13], [sflag:$0x1] =	stream.indirect.gather [hbm4b:s5+s12], $0x80, s28, s12, $0xb8;
	[tilespmem:$0x1A000] =	vst v63  }
0x1ca: {  	_ =	swait.ge [sflag:s16], $0x2800  }
0x1cb: {  	[sflag:s16] =	ssyncset.done $0x0  }
0x1cc: {  	[sflag:s16] =	ssyncadd.s32 $0xFFFFD800  }
0x1cd: {  	[spmem:s3] =	stream.indirect.scatter.add.f32 [tilespmem:s14], [sflag:$0x3], $0x80, s29, s12, $0xb8;
	[tilespmem:$0x1A000] =	vst v63  }
0x1ce: {  	_ =	swait.ge [sflag:s10], $0x2800  }
0x1cf: {  	[sflag:s10] =	ssyncset.done $0x0  }
0x1d0: {  	[sflag:s10] =	ssyncadd.s32 $0xFFFFD800  }
0x1d1: {  	[tilespmem:s14], [sflag:$0x2] =	stream.indirect.gather [hbm4b:s5+s12], $0x80, s30, s12, $0xb8;
	[tilespmem:$0x1A000] =	vst v63  }
0x1d2: {  	_ =	swait.ge [sflag:s15], $0x2800  }
0x1d3: {  	[sflag:s15] =	ssyncset.done $0x0  }
0x1d4: {  	[sflag:s15] =	ssyncadd.s32 $0xFFFFD800  }
0x1d5: {  	[spmem:s3] =	stream.indirect.scatter.add.f32 [tilespmem:s13], [sflag:$0x3], $0x80, s31, s12, $0xb8;
	[tilespmem:$0x1A000] =	vst v63  }
0x1d6: {  	_ =	swait.ge [sflag:s10], $0x2800  }
0x1d7: {  	[sflag:s10] =	ssyncset.done $0x0  }
0x1d8: {  	[sflag:s10] =	ssyncadd.s32 $0xFFFFD800  }
0x1d9: {  	_ =	swait.ge [sflag:s16], $0x2800  }
0x1da: {  	[sflag:s16] =	ssyncset.done $0x0  }
0x1db: {  	[sflag:s16] =	ssyncadd.s32 $0xFFFFD800  }
0x1dc: {  	[spmem:s3] =	stream.indirect.scatter.add.f32 [tilespmem:s14], [sflag:$0x3], $0x80, s1, s12, $0xb8;
	[tilespmem:$0x1A000] =	vst v63  }
0x1dd: {  	_ =	swait.ge [sflag:s10], $0x2800  }
0x1de: {  	[sflag:s10] =	ssyncset.done $0x0  }
0x1df: {  	[sflag:s10] =	ssyncadd.s32 $0xFFFFD800  }
0x1e0: {  	[bflag:$0x0] =	sbarrier.arrive $0xFFFF  }
0x1e1: {  	s8 =	rddreg [dreg:$0x17]  }
0x1e2: {  	s6 =	rddreg [dreg:$0x19]  }
0x1e3: {  	[hbm:s8], [sflag:s9] =	dma.local [spmem:s6], $0x2800  }
0x1e4: {  	_ =	swait.ge [sflag:s10], $0x2800  }
0x1e5: {  	s0 =	sadd.s32 $0x1, s0;
	s7 =	smov.u32 s9;
	s9 =	rddreg [dreg:$0x18]  }
0x1e6: {  	p0 =	sne.s32 s0, s9  }
.Ltmp1:
0x1e7: {  	_ = 	snop;
	(pc) =	sbr.rel @p0 .LBB2_1-.Ltmp1, $3  }
0x1e8: {  	_ =	sdelay $0x1  }
0x1e9: {  	[sflag:s10] =	ssyncset.done $0x0  }
0x1ea: {  	[sflag:s10] =	ssyncadd.s32 $0xFFFFD800  }
0x1eb: {  	_ =	sfence.sel $0x180000  }
0x1ec: {  	[bflag:$0x0] =	sbarrier.arrive $0xFFFF  }
0x1ed: {  	_ =	strace $0x9000004A  }
0x1ee: {  	s0 =	stileid.u32;
	[bflag:$0x2] =	sbarrier.arrive $0xFFFF  }
0x1ef: {  	p0 =	sne.s32 s0, $0x0;
	s0 =	rddreg [dreg:$0x3]  }
0x1f0: {  	s0 =	sadd.s32 @!p0 $0x100000, s0  }
0x1f1: {  	[sflag:s0] =	ssyncadd.tile.s32 @!p0 $0x1;
	_ =	shalt  }
.Lfunc_end2:
_tile_overlayer_lowered:
.L_overlay_start_2:
0x1f2: {  	(tag) =	ssettag $0x2  }
0x1f3: {  	s0 =	rddreg [dreg:$0x0];
	s2 =	stileid.u32  }
0x1f4: {  	s1 =	rddreg [dreg:$0x1];
	p0 =	sne.s32 s2, $0x0  }
0x1f5: {  	s3 =	rddreg [dreg:$0x2];
	[bflag:$0x3] =	sbarrier.arrive $0xFFFF;
	s2 =	simm.s32 @!p0 $0x1C03  }
0x1f6: {  	[timem:s3], [sflag:s2] =	dma.local @!p0 [hbm:s0], s1  }
0x1f7: {  	s0 =	simm.s32 @!p0 $0x3  }
0x1f8: {  	_ =	swait.ge @!p0 [sflag:s0], s1  }
0x1f9: {  	s1 =	ssub.s32 @!p0 $0x0, s1;
	[sflag:s0] =	ssyncset.done @!p0 $0x0  }
0x1fa: {  	[sflag:s0] =	ssyncadd.s32 @!p0 s1  }
0x1fb: {  	[bflag:$0x3] =	sbarrier.arrive $0xFFFF  }
0x1fc: {  	_ =	shalt  }

</sc_bundles>
